<compile_context>
chip_gen: v7x
topology: tpu7x:2x2x1
jax: 0.10.2.dev20260603
libtpu: 0.0.44.dev20260713+nightly
codegen_flags: <defaults>
</compile_context>

<pallas_src>
import functools

import jax
import jax.numpy as jnp
from jax import lax
from jax.experimental import pallas as pl
from jax.experimental.pallas import tpu as pltpu
from jax.experimental.pallas import tpu_sc as plsc

E = 8
B = 1024
BLK = 32
NBLK = 40
SPAD = NBLK * BLK
LDA = 0.1
MAX_ITER = 25
HIGHEST = jax.lax.Precision.HIGHEST


def _route_kernel(x_ref, wr_ref, br_ref,
                  sel0_ref, dest_ref, inv_ref, gs_ref, bexp_ref,
                  loss_ref, mc_ref):
    x = x_ref[...]
    wr = wr_ref[...]
    sel = jax.lax.dot_general(x, wr, (((1,), (0,)), ((), ())),
                              precision=jax.lax.Precision.DEFAULT)
    sel = sel + 64.0 * br_ref[...]
    m = jnp.max(sel, axis=1, keepdims=True)
    ex = jnp.exp(sel - m)
    ssm = ex / jnp.sum(ex, axis=1, keepdims=True)

    mx = jnp.max(ssm)
    q = jnp.exp((ssm / mx) / jnp.float32(LDA))
    v = jnp.ones((B, 1), jnp.float32)
    u = jnp.ones((1, E), jnp.float32)
    for _ in range(MAX_ITER):
        kv = jnp.sum(q * v, axis=0, keepdims=True)
        u = (float(B) / float(E)) / (kv + 1e-9)
        ktu = jnp.sum(q * u, axis=1, keepdims=True)
        v = 1.0 / (ktu + 1e-9)
    pi = u * q * v

    rmax = jnp.max(pi, axis=1, keepdims=True)
    keep = pi >= rmax
    lane = jax.lax.broadcasted_iota(jnp.int32, (B, E), 1)
    idx = jnp.min(jnp.where(keep, lane, E), axis=1, keepdims=True)
    onehot = (lane == idx).astype(jnp.float32)
    gate = jnp.sum(ssm * onehot, axis=1, keepdims=True)

    mc = jnp.sum(onehot, axis=0, keepdims=True)
    proxy = jnp.mean(ssm, axis=0, keepdims=True)
    loss_ref[...] = (jnp.sum(proxy * (mc / float(B)), keepdims=True)
                     / float(E) * float(E * E))

    pc = jnp.ceil(mc / float(BLK)) * float(BLK)
    ii = jax.lax.broadcasted_iota(jnp.int32, (E, E), 0)
    jj = jax.lax.broadcasted_iota(jnp.int32, (E, E), 1)
    lt = (ii < jj).astype(jnp.float32)
    po = jax.lax.dot_general(pc, lt, (((1,), (0,)), ((), ())),
                             precision=HIGHEST)

    acc = jnp.concatenate([jnp.zeros((1, E), jnp.float32), onehot[:-1, :]], 0)
    k = 1
    while k < B:
        acc = acc + jnp.concatenate(
            [jnp.zeros((k, E), jnp.float32), acc[:-k, :]], 0)
        k *= 2
    rank = jnp.sum(acc * onehot, axis=1, keepdims=True)
    po_b = jnp.sum(po * onehot, axis=1, keepdims=True)
    desti = (po_b + rank).astype(jnp.int32)
    dest_ref[...] = desti

    drow = jnp.transpose(desti)
    siota = jax.lax.broadcasted_iota(jnp.int32, (SPAD, B), 0)
    cmp = siota == drow
    biota = jax.lax.broadcasted_iota(jnp.int32, (SPAD, B), 1)
    inv_ref[...] = jnp.sum(jnp.where(cmp, biota, 0), axis=1, keepdims=True)
    gs_ref[...] = jnp.sum(jnp.where(cmp, jnp.transpose(gate), 0.0),
                          axis=1, keepdims=True)

    po_incl = po + pc
    srow = (jax.lax.broadcasted_iota(jnp.int32, (NBLK, E), 0)
            .astype(jnp.float32) * float(BLK))
    be = jnp.sum((po_incl <= srow).astype(jnp.int32), axis=1, keepdims=True)
    bexp_ref[...] = jnp.minimum(be, E - 1)

    sel0_ref[...] = onehot
    mc_ref[...] = mc


DEF = jax.lax.Precision.DEFAULT


def _sc_row_gather(n_rows, row_shape, chunk):
    info = plsc.get_sparse_core_info()
    nc, ns = info.num_cores, info.num_subcores
    nw = nc * ns
    per_w = n_rows // nw
    assert per_w % chunk == 0 and chunk % 8 == 0
    mesh = plsc.VectorSubcoreMesh(core_axis_name="c", subcore_axis_name="s")

    def body(table_hbm, idx_hbm, out_hbm, idx_v, rows_v, sem):
        wid = lax.axis_index("s") * nc + lax.axis_index("c")
        base = wid * per_w
        for k in range(per_w // chunk):
            off = base + k * chunk
            pltpu.sync_copy(idx_hbm.at[pl.ds(off, chunk)], idx_v)
            pltpu.async_copy(table_hbm.at[idx_v], rows_v, sem).wait()
            pltpu.sync_copy(rows_v, out_hbm.at[pl.ds(off, chunk)])

    return pl.kernel(
        body, mesh=mesh,
        out_type=jax.ShapeDtypeStruct((n_rows,) + row_shape, jnp.float32),
        scratch_types=[
            pltpu.VMEM((chunk,), jnp.int32),
            pltpu.VMEM((chunk,) + row_shape, jnp.float32),
            pltpu.SemaphoreType.DMA,
        ],
    )


def _dense_kernel(be_sm, xs_ref, gs_ref, w1_ref, b1_ref, w2_ref, b2_ref,
                  wfc_ref, bfc_ref, out_ref):
    del be_sm
    xf = xs_ref[...]
    im1 = jnp.stack([xf[:, o * 192:o * 192 + 288] for o in range(16)],
                    axis=1).reshape(BLK * 16, 288)
    h1 = jax.lax.dot_general(im1, w1_ref[0], (((1,), (0,)), ((), ())),
                             precision=DEF)
    h1 = jax.nn.relu(h1 + b1_ref[0])
    h1 = h1.reshape(BLK, 16, 16, 64)
    hp = jnp.pad(h1, ((0, 0), (0, 2), (0, 2), (0, 0)))
    y2 = hp.reshape(BLK, 9, 2, 9, 2, 64)
    taps2 = [y2[:, kh // 2:kh // 2 + 8, kh % 2,
                kw // 2:kw // 2 + 8, kw % 2, :]
             for kh in range(3) for kw in range(3)]
    im2 = jnp.concatenate(taps2, axis=-1).reshape(BLK * 64, 576)
    h2 = jax.lax.dot_general(im2, w2_ref[0], (((1,), (0,)), ((), ())),
                             precision=DEF)
    h2 = jax.nn.relu(h2 + b2_ref[0])
    pooled = jnp.mean(h2.reshape(BLK, 64, 64), axis=1)
    out = jax.lax.dot_general(pooled, wfc_ref[0], (((1,), (0,)), ((), ())),
                              precision=DEF)
    out = (out + bfc_ref[0]) * gs_ref[...]
    out_ref[...] = jnp.pad(out, ((0, 0), (0, 24)))


def kernel(x, W_router, b_router, Wc1, bc1, Wc2, bc2, Wfc, bfc):
    f32 = jnp.float32
    x_cl = x.transpose(0, 2, 3, 1).reshape(B, 3072)
    wr_full = jnp.tile(W_router, (1, 1, 8, 8))
    wr_cl = wr_full.transpose(2, 3, 1, 0).reshape(3072, E)
    br = b_router.reshape(1, E).astype(f32)

    sel0, dest, inv, gs, bexp, loss, mc = pl.pallas_call(
        _route_kernel,
        out_shape=(
            jax.ShapeDtypeStruct((B, E), f32),
            jax.ShapeDtypeStruct((B, 1), jnp.int32),
            jax.ShapeDtypeStruct((SPAD, 1), jnp.int32),
            jax.ShapeDtypeStruct((SPAD, 1), f32),
            jax.ShapeDtypeStruct((NBLK, 1), jnp.int32),
            jax.ShapeDtypeStruct((1, 1), f32),
            jax.ShapeDtypeStruct((1, E), f32),
        ),
    )(x_cl, wr_cl, br)

    x_sc = jnp.pad(x_cl, ((0, 0), (0, 256)))
    xs = _sc_row_gather(SPAD, (3328,), 8)(x_sc, inv.reshape(SPAD))

    w1v = Wc1.transpose(0, 3, 4, 2, 1)
    kwi = jnp.arange(3)[:, None, None]
    wi = jnp.arange(32)[None, :, None]
    owi = jnp.arange(16)[None, None, :]
    msk = (wi == 2 * owi + kwi).astype(f32)
    t1 = jnp.einsum('ehkcd,kwo->ehwcod', w1v, msk).reshape(E, 288, 1024)
    b1t = jnp.tile(bc1, (1, 16)).reshape(E, 1, 1024)
    w2 = Wc2.transpose(0, 3, 4, 2, 1).reshape(E, 576, 64)
    b2 = bc2.reshape(E, 1, 64)
    bf = bfc.reshape(E, 1, 1000)
    be1 = bexp.reshape(NBLK)

    def _wmap(s, be):
        return (be[s], 0, 0)

    os_ = pl.pallas_call(
        _dense_kernel,
        grid_spec=pltpu.PrefetchScalarGridSpec(
            num_scalar_prefetch=1,
            grid=(NBLK,),
            in_specs=[
                pl.BlockSpec((BLK, 3328), lambda s, be: (s, 0)),
                pl.BlockSpec((BLK, 1), lambda s, be: (s, 0)),
                pl.BlockSpec((1, 288, 1024), _wmap),
                pl.BlockSpec((1, 1, 1024), _wmap),
                pl.BlockSpec((1, 576, 64), _wmap),
                pl.BlockSpec((1, 1, 64), _wmap),
                pl.BlockSpec((1, 64, 1000), _wmap),
                pl.BlockSpec((1, 1, 1000), _wmap),
            ],
            out_specs=pl.BlockSpec((BLK, 1024), lambda s, be: (s, 0)),
        ),
        out_shape=jax.ShapeDtypeStruct((SPAD, 1024), f32),
    )(be1, xs, gs, t1, b1t, w2, b2, Wfc, bf)

    output = _sc_row_gather(B, (1024,), 32)(os_, dest.reshape(B))[:, :1000]

    return (output, sel0, loss.reshape(()), mc)

# --- scband reference (transcript-rebuilt; emitter-appended) ---
"""Pipeline reference for scband-nonlinear-mixture-mobile-35381940584884 (READ-ONLY COPY).

The authoritative reference and input builder live on the scoring server;
editing this copy changes nothing except your own understanding.
"""

import jax, jax.numpy as jnp
import numpy as np

EXPERT_NUM = 8
LDA = 0.1
MAX_ITER = 25

def conv2d(x, w, b, stride):
    y = jax.lax.conv_general_dilated(x, w, (stride, stride), 'SAME', dimension_numbers=('NCHW', 'OIHW', 'NCHW'))
    return y + b[None, :, None, None]

def get_dist(x, y):
    x2 = jnp.sum(x * x, axis=1)[:, None]
    y2 = jnp.sum(y * y, axis=1)[None, :]
    return jnp.maximum(x2 + y2 - 2.0 * (x @ y.T), 0.0)

def get_G(x, y, ktype=None, khp=None):
    # ktype=None in this config -> identity gram matrix
    return jnp.eye(x.shape[0], dtype=x.dtype)

def get_gamma(C, G_n, G_m, mu, nu, max_itr, lda):
    # Sinkhorn-style balanced OT between experts (mu) and tokens (nu)
    Kmat = jnp.exp(-C / lda)
    u = jnp.ones_like(mu)
    v = jnp.ones_like(nu)
    for _ in range(max_itr):
        u = mu / (Kmat @ v + 1e-9)
        v = nu / (Kmat.T @ u + 1e-9)
    pi = u[:, None] * Kmat * v[None, :]
    return pi, u, v

def postprocess_gamma(pi, S_i, S_j, n, m):
    # sparsify: keep only the max entry per token (column)
    col_max = jnp.max(pi, axis=0, keepdims=True)
    return jnp.where(pi >= col_max, pi, 0.0)

def _expert(xi, wc1, bc1, wc2, bc2, wfc, bfc):
    h = jax.nn.relu(conv2d(xi, wc1, bc1, 2))
    h = jax.nn.relu(conv2d(h, wc2, bc2, 2))
    h = jnp.mean(h, axis=(2, 3))
    return h @ wfc + bfc[None, :]

def setup_inputs(seed: int = 0):
    key = jax.random.key(seed)
    ks = jax.random.split(key, 10)
    B, C, H, W = 1024, 3, 32, 32
    E = EXPERT_NUM
    x = jax.random.normal(ks[0], (B, C, H, W), dtype=jnp.float32)
    W_router = jax.random.normal(ks[1], (E, 3, 4, 4), dtype=jnp.float32) * 0.05
    b_router = jnp.zeros((E,), dtype=jnp.float32)
    Wc1 = jax.random.normal(ks[2], (E, 64, 3, 3, 3), dtype=jnp.float32) * (1.0 / np.sqrt(27.0))
    bc1 = jnp.zeros((E, 64), dtype=jnp.float32)
    Wc2 = jax.random.normal(ks[3], (E, 64, 64, 3, 3), dtype=jnp.float32) * (1.0 / np.sqrt(576.0))
    bc2 = jnp.zeros((E, 64), dtype=jnp.float32)
    Wfc = jax.random.normal(ks[4], (E, 64, 1000), dtype=jnp.float32) * (1.0 / 8.0)
    bfc = jnp.zeros((E, 1000), dtype=jnp.float32)
    return {"x": x, "W_router": W_router, "b_router": b_router, "Wc1": Wc1, "bc1": bc1, "Wc2": Wc2, "bc2": bc2, "Wfc": Wfc, "bfc": bfc}

def reference(x, W_router, b_router, Wc1, bc1, Wc2, bc2, Wfc, bfc):
    E = EXPERT_NUM
    # Router: conv2d(3->E, patch 4, stride 4), spatial sum; eval mode (no noise)
    r = conv2d(x, W_router, b_router, 4)
    select = jnp.sum(r, axis=(2, 3))
    select_softmax = jax.nn.softmax(select, axis=1)
    m, n = select.shape
    # OT-balanced assignment (torch.no_grad region)
    sel_sg = jax.lax.stop_gradient(select_softmax)
    Cmat = -sel_sg.T
    Cmat = Cmat / jnp.max(jnp.abs(Cmat))
    mu = jnp.full((n,), float(m) / float(n), dtype=x.dtype)
    nu = jnp.ones((m,), dtype=x.dtype)
    x_vec = jax.lax.stop_gradient(x.reshape(m, -1))
    d = get_dist(x_vec, x_vec)  # computed as in original (khp=None -> unused)
    G_n = jnp.eye(n, dtype=x.dtype)
    G_m = get_G(x_vec, x_vec, None, None)
    pi, S_i, S_j = get_gamma(Cmat, G_n, G_m, mu, nu, MAX_ITER, LDA)
    pi = postprocess_gamma(pi, S_i, S_j, n, m).T
    index = jnp.argmax((pi > 0).astype(jnp.int32), axis=1)
    gate = jnp.take_along_axis(select_softmax, index[:, None], axis=1)[:, 0]
    mask = jax.nn.one_hot(index, E, dtype=jnp.float32)
    density = jnp.mean(mask, axis=-2)
    density_proxy = jnp.mean(select_softmax, axis=-2)
    loss = jnp.mean(density_proxy * density) * float(E ** 2)
    mask_count = jnp.sum(mask, axis=-2, keepdims=True)
    mask_flat = jnp.sum(mask, axis=-1)
    one_hot_idx = jax.nn.one_hot(index, E, dtype=jnp.float32)
    combine_tensor = gate[:, None, None] * mask_flat[:, None, None] * one_hot_idx[:, :, None]
    dispatch_tensor = (combine_tensor != 0).astype(combine_tensor.dtype)
    select0 = dispatch_tensor[..., 0]
    expert_inputs = jnp.einsum('bjkd,ben->ebjkd', x, dispatch_tensor)
    outs = []
    for i in range(E):
        outs.append(_expert(expert_inputs[i], Wc1[i], bc1[i], Wc2[i], bc2[i], Wfc[i], bfc[i]))
    stacked = jnp.stack(outs)
    output = jnp.einsum('ijk,jil->il', combine_tensor, stacked)
    return (output, select0, loss, mask_count)

if __name__ == "__main__":
    import jax
    _d = setup_inputs()
    print(jax.jit(kernel)(*tuple(_d.values())))

</pallas_src>

<mosaic_0001>
#map = affine_map<(d0, d1) -> (0, 0)>
#map1 = affine_map<(d0, d1) -> (0)>
module attributes {stable_mosaic.version = 14 : i64} {
  func.func @body(%arg0: i32, %arg1: i32, %arg2: memref<1024x3328xf32, #tpu.memory_space<hbm>>, %arg3: memref<1280xi32, #tpu.memory_space<hbm>>, %arg4: memref<1280x3328xf32, #tpu.memory_space<hbm>>, %arg5: memref<8xi32, #tpu.memory_space<vmem>>, %arg6: memref<8x3328xf32, #tpu.memory_space<vmem>>, %arg7: memref<!tpu.dma_semaphore, #tpu.memory_space<semaphore_mem>>) attributes {dimension_semantics = [#tpu.dimension_semantics<core_parallel>, #tpu.dimension_semantics<subcore_parallel>], iteration_bounds = array<i64: 2, 16>, scalar_prefetch = 0 : i64, scratch_operands = 3 : i64, tpu.core_type = #tpu.core_type<sc_vector_subcore>, window_params = [{transform_indices = #map}, {transform_indices = #map1}, {transform_indices = #map}]} {
    %mul3A = arith.constant 2 : i32
    %mul3A_0 = arith.muli %arg1, %mul3A : i32
    %add3A = arith.addi %mul3A_0, %arg0 : i32
    %mul3A_1 = arith.constant 40 : i32
    %mul3A_2 = arith.muli %add3A, %mul3A_1 : i32
    %add3A_3 = arith.constant 0 : i32
    %add3A_4 = arith.addi %mul3A_2, %add3A_3 : i32
    "tpu.region"() ({
      %run_scoped3A = tpu.sem_alloc : memref<!tpu.dma_semaphore, #tpu.memory_space<semaphore_mem>>
      %dma_start3A_41 = tpu.memref_slice %arg3[%add3A_4] : memref<1280xi32, #tpu.memory_space<hbm>> -> memref<8xi32, #tpu.memory_space<hbm>>
      %dma_start3A_42 = tpu.memref_slice %arg3[%add3A_4] : memref<1280xi32, #tpu.memory_space<hbm>> -> memref<8xi32, #tpu.memory_space<hbm>>
      tpu.enqueue_dma source(%dma_start3A_42 : memref<8xi32, #tpu.memory_space<hbm>>) target(%arg5 : memref<8xi32, #tpu.memory_space<vmem>>) target_semaphore(%run_scoped3A : memref<!tpu.dma_semaphore, #tpu.memory_space<semaphore_mem>>)
      %dma_wait3A_43 = tpu.memref_slice %arg3[%add3A_4] : memref<1280xi32, #tpu.memory_space<hbm>> -> memref<8xi32, #tpu.memory_space<hbm>>
      %dma_wait3A_44 = tpu.memref_slice %arg3[%add3A_4] : memref<1280xi32, #tpu.memory_space<hbm>> -> memref<8xi32, #tpu.memory_space<hbm>>
      tpu.wait_dma2 semaphore(%run_scoped3A : memref<!tpu.dma_semaphore, #tpu.memory_space<semaphore_mem>>) src(%dma_wait3A_44 : memref<8xi32, #tpu.memory_space<hbm>>) dst(%arg5 : memref<8xi32, #tpu.memory_space<vmem>>)
      tpu.yield
    }) : () -> ()
    %dma_start3A = arith.constant 0 : i32
    %dma_start3A_5 = arith.constant 0 : i32
    %dma_start3A_6 = tpu.memref_slice %arg2[%dma_start3A, %dma_start3A_5] : memref<1024x3328xf32, #tpu.memory_space<hbm>> -> memref<1024x3328xf32, #tpu.memory_space<hbm>>
    tpu.enqueue_indirect_dma source(%dma_start3A_6 : memref<1024x3328xf32, #tpu.memory_space<hbm>>) target(%arg6 : memref<8x3328xf32, #tpu.memory_space<vmem>>) offsets(%arg5 : memref<8xi32, #tpu.memory_space<vmem>>) semaphore(%arg7 : memref<!tpu.dma_semaphore, #tpu.memory_space<semaphore_mem>>)
    %dma_wait3A = arith.constant 0 : i32
    %dma_wait3A_7 = arith.constant 0 : i32
    %dma_wait3A_8 = tpu.memref_slice %arg2[%dma_wait3A, %dma_wait3A_7] : memref<1024x3328xf32, #tpu.memory_space<hbm>> -> memref<1024x3328xf32, #tpu.memory_space<hbm>>
    tpu.wait_indirect_dma semaphore(%arg7 : memref<!tpu.dma_semaphore, #tpu.memory_space<semaphore_mem>>) src(%dma_wait3A_8 : memref<1024x3328xf32, #tpu.memory_space<hbm>>) dst(%arg6 : memref<8x3328xf32, #tpu.memory_space<vmem>>)
    "tpu.region"() ({
      %run_scoped3A = tpu.sem_alloc : memref<!tpu.dma_semaphore, #tpu.memory_space<semaphore_mem>>
      %dma_start3A_41 = arith.constant 0 : i32
      %dma_start3A_42 = tpu.memref_slice %arg4[%add3A_4, %dma_start3A_41] : memref<1280x3328xf32, #tpu.memory_space<hbm>> -> memref<8x3328xf32, #tpu.memory_space<hbm>>
      %dma_start3A_43 = arith.constant 0 : i32
      %dma_start3A_44 = tpu.memref_slice %arg4[%add3A_4, %dma_start3A_43] : memref<1280x3328xf32, #tpu.memory_space<hbm>> -> memref<8x3328xf32, #tpu.memory_space<hbm>>
      tpu.enqueue_dma source(%arg6 : memref<8x3328xf32, #tpu.memory_space<vmem>>) target(%dma_start3A_44 : memref<8x3328xf32, #tpu.memory_space<hbm>>) target_semaphore(%run_scoped3A : memref<!tpu.dma_semaphore, #tpu.memory_space<semaphore_mem>>)
      %dma_wait3A_45 = arith.constant 0 : i32
      %dma_wait3A_46 = tpu.memref_slice %arg4[%add3A_4, %dma_wait3A_45] : memref<1280x3328xf32, #tpu.memory_space<hbm>> -> memref<8x3328xf32, #tpu.memory_space<hbm>>
      %dma_wait3A_47 = arith.constant 0 : i32
      %dma_wait3A_48 = tpu.memref_slice %arg4[%add3A_4, %dma_wait3A_47] : memref<1280x3328xf32, #tpu.memory_space<hbm>> -> memref<8x3328xf32, #tpu.memory_space<hbm>>
      tpu.wait_dma2 semaphore(%run_scoped3A : memref<!tpu.dma_semaphore, #tpu.memory_space<semaphore_mem>>) src(%arg6 : memref<8x3328xf32, #tpu.memory_space<vmem>>) dst(%dma_wait3A_48 : memref<8x3328xf32, #tpu.memory_space<hbm>>)
      tpu.yield
    }) : () -> ()
    %add3A_9 = arith.constant 8 : i32
    %add3A_10 = arith.addi %mul3A_2, %add3A_9 : i32
    "tpu.region"() ({
      %run_scoped3A = tpu.sem_alloc : memref<!tpu.dma_semaphore, #tpu.memory_space<semaphore_mem>>
      %dma_start3A_41 = tpu.memref_slice %arg3[%add3A_10] : memref<1280xi32, #tpu.memory_space<hbm>> -> memref<8xi32, #tpu.memory_space<hbm>>
      %dma_start3A_42 = tpu.memref_slice %arg3[%add3A_10] : memref<1280xi32, #tpu.memory_space<hbm>> -> memref<8xi32, #tpu.memory_space<hbm>>
      tpu.enqueue_dma source(%dma_start3A_42 : memref<8xi32, #tpu.memory_space<hbm>>) target(%arg5 : memref<8xi32, #tpu.memory_space<vmem>>) target_semaphore(%run_scoped3A : memref<!tpu.dma_semaphore, #tpu.memory_space<semaphore_mem>>)
      %dma_wait3A_43 = tpu.memref_slice %arg3[%add3A_10] : memref<1280xi32, #tpu.memory_space<hbm>> -> memref<8xi32, #tpu.memory_space<hbm>>
      %dma_wait3A_44 = tpu.memref_slice %arg3[%add3A_10] : memref<1280xi32, #tpu.memory_space<hbm>> -> memref<8xi32, #tpu.memory_space<hbm>>
      tpu.wait_dma2 semaphore(%run_scoped3A : memref<!tpu.dma_semaphore, #tpu.memory_space<semaphore_mem>>) src(%dma_wait3A_44 : memref<8xi32, #tpu.memory_space<hbm>>) dst(%arg5 : memref<8xi32, #tpu.memory_space<vmem>>)
      tpu.yield
    }) : () -> ()
    %dma_start3A_11 = arith.constant 0 : i32
    %dma_start3A_12 = arith.constant 0 : i32
    %dma_start3A_13 = tpu.memref_slice %arg2[%dma_start3A_11, %dma_start3A_12] : memref<1024x3328xf32, #tpu.memory_space<hbm>> -> memref<1024x3328xf32, #tpu.memory_space<hbm>>
    tpu.enqueue_indirect_dma source(%dma_start3A_13 : memref<1024x3328xf32, #tpu.memory_space<hbm>>) target(%arg6 : memref<8x3328xf32, #tpu.memory_space<vmem>>) offsets(%arg5 : memref<8xi32, #tpu.memory_space<vmem>>) semaphore(%arg7 : memref<!tpu.dma_semaphore, #tpu.memory_space<semaphore_mem>>)
    %dma_wait3A_14 = arith.constant 0 : i32
    %dma_wait3A_15 = arith.constant 0 : i32
    %dma_wait3A_16 = tpu.memref_slice %arg2[%dma_wait3A_14, %dma_wait3A_15] : memref<1024x3328xf32, #tpu.memory_space<hbm>> -> memref<1024x3328xf32, #tpu.memory_space<hbm>>
    tpu.wait_indirect_dma semaphore(%arg7 : memref<!tpu.dma_semaphore, #tpu.memory_space<semaphore_mem>>) src(%dma_wait3A_16 : memref<1024x3328xf32, #tpu.memory_space<hbm>>) dst(%arg6 : memref<8x3328xf32, #tpu.memory_space<vmem>>)
    "tpu.region"() ({
      %run_scoped3A = tpu.sem_alloc : memref<!tpu.dma_semaphore, #tpu.memory_space<semaphore_mem>>
      %dma_start3A_41 = arith.constant 0 : i32
      %dma_start3A_42 = tpu.memref_slice %arg4[%add3A_10, %dma_start3A_41] : memref<1280x3328xf32, #tpu.memory_space<hbm>> -> memref<8x3328xf32, #tpu.memory_space<hbm>>
      %dma_start3A_43 = arith.constant 0 : i32
      %dma_start3A_44 = tpu.memref_slice %arg4[%add3A_10, %dma_start3A_43] : memref<1280x3328xf32, #tpu.memory_space<hbm>> -> memref<8x3328xf32, #tpu.memory_space<hbm>>
      tpu.enqueue_dma source(%arg6 : memref<8x3328xf32, #tpu.memory_space<vmem>>) target(%dma_start3A_44 : memref<8x3328xf32, #tpu.memory_space<hbm>>) target_semaphore(%run_scoped3A : memref<!tpu.dma_semaphore, #tpu.memory_space<semaphore_mem>>)
      %dma_wait3A_45 = arith.constant 0 : i32
      %dma_wait3A_46 = tpu.memref_slice %arg4[%add3A_10, %dma_wait3A_45] : memref<1280x3328xf32, #tpu.memory_space<hbm>> -> memref<8x3328xf32, #tpu.memory_space<hbm>>
      %dma_wait3A_47 = arith.constant 0 : i32
      %dma_wait3A_48 = tpu.memref_slice %arg4[%add3A_10, %dma_wait3A_47] : memref<1280x3328xf32, #tpu.memory_space<hbm>> -> memref<8x3328xf32, #tpu.memory_space<hbm>>
      tpu.wait_dma2 semaphore(%run_scoped3A : memref<!tpu.dma_semaphore, #tpu.memory_space<semaphore_mem>>) src(%arg6 : memref<8x3328xf32, #tpu.memory_space<vmem>>) dst(%dma_wait3A_48 : memref<8x3328xf32, #tpu.memory_space<hbm>>)
      tpu.yield
    }) : () -> ()
    %add3A_17 = arith.constant 16 : i32
    %add3A_18 = arith.addi %mul3A_2, %add3A_17 : i32
    "tpu.region"() ({
      %run_scoped3A = tpu.sem_alloc : memref<!tpu.dma_semaphore, #tpu.memory_space<semaphore_mem>>
      %dma_start3A_41 = tpu.memref_slice %arg3[%add3A_18] : memref<1280xi32, #tpu.memory_space<hbm>> -> memref<8xi32, #tpu.memory_space<hbm>>
      %dma_start3A_42 = tpu.memref_slice %arg3[%add3A_18] : memref<1280xi32, #tpu.memory_space<hbm>> -> memref<8xi32, #tpu.memory_space<hbm>>
      tpu.enqueue_dma source(%dma_start3A_42 : memref<8xi32, #tpu.memory_space<hbm>>) target(%arg5 : memref<8xi32, #tpu.memory_space<vmem>>) target_semaphore(%run_scoped3A : memref<!tpu.dma_semaphore, #tpu.memory_space<semaphore_mem>>)
      %dma_wait3A_43 = tpu.memref_slice %arg3[%add3A_18] : memref<1280xi32, #tpu.memory_space<hbm>> -> memref<8xi32, #tpu.memory_space<hbm>>
      %dma_wait3A_44 = tpu.memref_slice %arg3[%add3A_18] : memref<1280xi32, #tpu.memory_space<hbm>> -> memref<8xi32, #tpu.memory_space<hbm>>
      tpu.wait_dma2 semaphore(%run_scoped3A : memref<!tpu.dma_semaphore, #tpu.memory_space<semaphore_mem>>) src(%dma_wait3A_44 : memref<8xi32, #tpu.memory_space<hbm>>) dst(%arg5 : memref<8xi32, #tpu.memory_space<vmem>>)
      tpu.yield
    }) : () -> ()
    %dma_start3A_19 = arith.constant 0 : i32
    %dma_start3A_20 = arith.constant 0 : i32
    %dma_start3A_21 = tpu.memref_slice %arg2[%dma_start3A_19, %dma_start3A_20] : memref<1024x3328xf32, #tpu.memory_space<hbm>> -> memref<1024x3328xf32, #tpu.memory_space<hbm>>
    tpu.enqueue_indirect_dma source(%dma_start3A_21 : memref<1024x3328xf32, #tpu.memory_space<hbm>>) target(%arg6 : memref<8x3328xf32, #tpu.memory_space<vmem>>) offsets(%arg5 : memref<8xi32, #tpu.memory_space<vmem>>) semaphore(%arg7 : memref<!tpu.dma_semaphore, #tpu.memory_space<semaphore_mem>>)
    %dma_wait3A_22 = arith.constant 0 : i32
    %dma_wait3A_23 = arith.constant 0 : i32
    %dma_wait3A_24 = tpu.memref_slice %arg2[%dma_wait3A_22, %dma_wait3A_23] : memref<1024x3328xf32, #tpu.memory_space<hbm>> -> memref<1024x3328xf32, #tpu.memory_space<hbm>>
    tpu.wait_indirect_dma semaphore(%arg7 : memref<!tpu.dma_semaphore, #tpu.memory_space<semaphore_mem>>) src(%dma_wait3A_24 : memref<1024x3328xf32, #tpu.memory_space<hbm>>) dst(%arg6 : memref<8x3328xf32, #tpu.memory_space<vmem>>)
    "tpu.region"() ({
      %run_scoped3A = tpu.sem_alloc : memref<!tpu.dma_semaphore, #tpu.memory_space<semaphore_mem>>
      %dma_start3A_41 = arith.constant 0 : i32
      %dma_start3A_42 = tpu.memref_slice %arg4[%add3A_18, %dma_start3A_41] : memref<1280x3328xf32, #tpu.memory_space<hbm>> -> memref<8x3328xf32, #tpu.memory_space<hbm>>
      %dma_start3A_43 = arith.constant 0 : i32
      %dma_start3A_44 = tpu.memref_slice %arg4[%add3A_18, %dma_start3A_43] : memref<1280x3328xf32, #tpu.memory_space<hbm>> -> memref<8x3328xf32, #tpu.memory_space<hbm>>
      tpu.enqueue_dma source(%arg6 : memref<8x3328xf32, #tpu.memory_space<vmem>>) target(%dma_start3A_44 : memref<8x3328xf32, #tpu.memory_space<hbm>>) target_semaphore(%run_scoped3A : memref<!tpu.dma_semaphore, #tpu.memory_space<semaphore_mem>>)
      %dma_wait3A_45 = arith.constant 0 : i32
      %dma_wait3A_46 = tpu.memref_slice %arg4[%add3A_18, %dma_wait3A_45] : memref<1280x3328xf32, #tpu.memory_space<hbm>> -> memref<8x3328xf32, #tpu.memory_space<hbm>>
      %dma_wait3A_47 = arith.constant 0 : i32
      %dma_wait3A_48 = tpu.memref_slice %arg4[%add3A_18, %dma_wait3A_47] : memref<1280x3328xf32, #tpu.memory_space<hbm>> -> memref<8x3328xf32, #tpu.memory_space<hbm>>
      tpu.wait_dma2 semaphore(%run_scoped3A : memref<!tpu.dma_semaphore, #tpu.memory_space<semaphore_mem>>) src(%arg6 : memref<8x3328xf32, #tpu.memory_space<vmem>>) dst(%dma_wait3A_48 : memref<8x3328xf32, #tpu.memory_space<hbm>>)
      tpu.yield
    }) : () -> ()
    %add3A_25 = arith.constant 24 : i32
    %add3A_26 = arith.addi %mul3A_2, %add3A_25 : i32
    "tpu.region"() ({
      %run_scoped3A = tpu.sem_alloc : memref<!tpu.dma_semaphore, #tpu.memory_space<semaphore_mem>>
      %dma_start3A_41 = tpu.memref_slice %arg3[%add3A_26] : memref<1280xi32, #tpu.memory_space<hbm>> -> memref<8xi32, #tpu.memory_space<hbm>>
      %dma_start3A_42 = tpu.memref_slice %arg3[%add3A_26] : memref<1280xi32, #tpu.memory_space<hbm>> -> memref<8xi32, #tpu.memory_space<hbm>>
      tpu.enqueue_dma source(%dma_start3A_42 : memref<8xi32, #tpu.memory_space<hbm>>) target(%arg5 : memref<8xi32, #tpu.memory_space<vmem>>) target_semaphore(%run_scoped3A : memref<!tpu.dma_semaphore, #tpu.memory_space<semaphore_mem>>)
      %dma_wait3A_43 = tpu.memref_slice %arg3[%add3A_26] : memref<1280xi32, #tpu.memory_space<hbm>> -> memref<8xi32, #tpu.memory_space<hbm>>
      %dma_wait3A_44 = tpu.memref_slice %arg3[%add3A_26] : memref<1280xi32, #tpu.memory_space<hbm>> -> memref<8xi32, #tpu.memory_space<hbm>>
      tpu.wait_dma2 semaphore(%run_scoped3A : memref<!tpu.dma_semaphore, #tpu.memory_space<semaphore_mem>>) src(%dma_wait3A_44 : memref<8xi32, #tpu.memory_space<hbm>>) dst(%arg5 : memref<8xi32, #tpu.memory_space<vmem>>)
      tpu.yield
    }) : () -> ()
    %dma_start3A_27 = arith.constant 0 : i32
    %dma_start3A_28 = arith.constant 0 : i32
    %dma_start3A_29 = tpu.memref_slice %arg2[%dma_start3A_27, %dma_start3A_28] : memref<1024x3328xf32, #tpu.memory_space<hbm>> -> memref<1024x3328xf32, #tpu.memory_space<hbm>>
    tpu.enqueue_indirect_dma source(%dma_start3A_29 : memref<1024x3328xf32, #tpu.memory_space<hbm>>) target(%arg6 : memref<8x3328xf32, #tpu.memory_space<vmem>>) offsets(%arg5 : memref<8xi32, #tpu.memory_space<vmem>>) semaphore(%arg7 : memref<!tpu.dma_semaphore, #tpu.memory_space<semaphore_mem>>)
    %dma_wait3A_30 = arith.constant 0 : i32
    %dma_wait3A_31 = arith.constant 0 : i32
    %dma_wait3A_32 = tpu.memref_slice %arg2[%dma_wait3A_30, %dma_wait3A_31] : memref<1024x3328xf32, #tpu.memory_space<hbm>> -> memref<1024x3328xf32, #tpu.memory_space<hbm>>
    tpu.wait_indirect_dma semaphore(%arg7 : memref<!tpu.dma_semaphore, #tpu.memory_space<semaphore_mem>>) src(%dma_wait3A_32 : memref<1024x3328xf32, #tpu.memory_space<hbm>>) dst(%arg6 : memref<8x3328xf32, #tpu.memory_space<vmem>>)
    "tpu.region"() ({
      %run_scoped3A = tpu.sem_alloc : memref<!tpu.dma_semaphore, #tpu.memory_space<semaphore_mem>>
      %dma_start3A_41 = arith.constant 0 : i32
      %dma_start3A_42 = tpu.memref_slice %arg4[%add3A_26, %dma_start3A_41] : memref<1280x3328xf32, #tpu.memory_space<hbm>> -> memref<8x3328xf32, #tpu.memory_space<hbm>>
      %dma_start3A_43 = arith.constant 0 : i32
      %dma_start3A_44 = tpu.memref_slice %arg4[%add3A_26, %dma_start3A_43] : memref<1280x3328xf32, #tpu.memory_space<hbm>> -> memref<8x3328xf32, #tpu.memory_space<hbm>>
      tpu.enqueue_dma source(%arg6 : memref<8x3328xf32, #tpu.memory_space<vmem>>) target(%dma_start3A_44 : memref<8x3328xf32, #tpu.memory_space<hbm>>) target_semaphore(%run_scoped3A : memref<!tpu.dma_semaphore, #tpu.memory_space<semaphore_mem>>)
      %dma_wait3A_45 = arith.constant 0 : i32
      %dma_wait3A_46 = tpu.memref_slice %arg4[%add3A_26, %dma_wait3A_45] : memref<1280x3328xf32, #tpu.memory_space<hbm>> -> memref<8x3328xf32, #tpu.memory_space<hbm>>
      %dma_wait3A_47 = arith.constant 0 : i32
      %dma_wait3A_48 = tpu.memref_slice %arg4[%add3A_26, %dma_wait3A_47] : memref<1280x3328xf32, #tpu.memory_space<hbm>> -> memref<8x3328xf32, #tpu.memory_space<hbm>>
      tpu.wait_dma2 semaphore(%run_scoped3A : memref<!tpu.dma_semaphore, #tpu.memory_space<semaphore_mem>>) src(%arg6 : memref<8x3328xf32, #tpu.memory_space<vmem>>) dst(%dma_wait3A_48 : memref<8x3328xf32, #tpu.memory_space<hbm>>)
      tpu.yield
    }) : () -> ()
    %add3A_33 = arith.constant 32 : i32
    %add3A_34 = arith.addi %mul3A_2, %add3A_33 : i32
    "tpu.region"() ({
      %run_scoped3A = tpu.sem_alloc : memref<!tpu.dma_semaphore, #tpu.memory_space<semaphore_mem>>
      %dma_start3A_41 = tpu.memref_slice %arg3[%add3A_34] : memref<1280xi32, #tpu.memory_space<hbm>> -> memref<8xi32, #tpu.memory_space<hbm>>
      %dma_start3A_42 = tpu.memref_slice %arg3[%add3A_34] : memref<1280xi32, #tpu.memory_space<hbm>> -> memref<8xi32, #tpu.memory_space<hbm>>
      tpu.enqueue_dma source(%dma_start3A_42 : memref<8xi32, #tpu.memory_space<hbm>>) target(%arg5 : memref<8xi32, #tpu.memory_space<vmem>>) target_semaphore(%run_scoped3A : memref<!tpu.dma_semaphore, #tpu.memory_space<semaphore_mem>>)
      %dma_wait3A_43 = tpu.memref_slice %arg3[%add3A_34] : memref<1280xi32, #tpu.memory_space<hbm>> -> memref<8xi32, #tpu.memory_space<hbm>>
      %dma_wait3A_44 = tpu.memref_slice %arg3[%add3A_34] : memref<1280xi32, #tpu.memory_space<hbm>> -> memref<8xi32, #tpu.memory_space<hbm>>
      tpu.wait_dma2 semaphore(%run_scoped3A : memref<!tpu.dma_semaphore, #tpu.memory_space<semaphore_mem>>) src(%dma_wait3A_44 : memref<8xi32, #tpu.memory_space<hbm>>) dst(%arg5 : memref<8xi32, #tpu.memory_space<vmem>>)
      tpu.yield
    }) : () -> ()
    %dma_start3A_35 = arith.constant 0 : i32
    %dma_start3A_36 = arith.constant 0 : i32
    %dma_start3A_37 = tpu.memref_slice %arg2[%dma_start3A_35, %dma_start3A_36] : memref<1024x3328xf32, #tpu.memory_space<hbm>> -> memref<1024x3328xf32, #tpu.memory_space<hbm>>
    tpu.enqueue_indirect_dma source(%dma_start3A_37 : memref<1024x3328xf32, #tpu.memory_space<hbm>>) target(%arg6 : memref<8x3328xf32, #tpu.memory_space<vmem>>) offsets(%arg5 : memref<8xi32, #tpu.memory_space<vmem>>) semaphore(%arg7 : memref<!tpu.dma_semaphore, #tpu.memory_space<semaphore_mem>>)
    %dma_wait3A_38 = arith.constant 0 : i32
    %dma_wait3A_39 = arith.constant 0 : i32
    %dma_wait3A_40 = tpu.memref_slice %arg2[%dma_wait3A_38, %dma_wait3A_39] : memref<1024x3328xf32, #tpu.memory_space<hbm>> -> memref<1024x3328xf32, #tpu.memory_space<hbm>>
    tpu.wait_indirect_dma semaphore(%arg7 : memref<!tpu.dma_semaphore, #tpu.memory_space<semaphore_mem>>) src(%dma_wait3A_40 : memref<1024x3328xf32, #tpu.memory_space<hbm>>) dst(%arg6 : memref<8x3328xf32, #tpu.memory_space<vmem>>)
    "tpu.region"() ({
      %run_scoped3A = tpu.sem_alloc : memref<!tpu.dma_semaphore, #tpu.memory_space<semaphore_mem>>
      %dma_start3A_41 = arith.constant 0 : i32
      %dma_start3A_42 = tpu.memref_slice %arg4[%add3A_34, %dma_start3A_41] : memref<1280x3328xf32, #tpu.memory_space<hbm>> -> memref<8x3328xf32, #tpu.memory_space<hbm>>
      %dma_start3A_43 = arith.constant 0 : i32
      %dma_start3A_44 = tpu.memref_slice %arg4[%add3A_34, %dma_start3A_43] : memref<1280x3328xf32, #tpu.memory_space<hbm>> -> memref<8x3328xf32, #tpu.memory_space<hbm>>
      tpu.enqueue_dma source(%arg6 : memref<8x3328xf32, #tpu.memory_space<vmem>>) target(%dma_start3A_44 : memref<8x3328xf32, #tpu.memory_space<hbm>>) target_semaphore(%run_scoped3A : memref<!tpu.dma_semaphore, #tpu.memory_space<semaphore_mem>>)
      %dma_wait3A_45 = arith.constant 0 : i32
      %dma_wait3A_46 = tpu.memref_slice %arg4[%add3A_34, %dma_wait3A_45] : memref<1280x3328xf32, #tpu.memory_space<hbm>> -> memref<8x3328xf32, #tpu.memory_space<hbm>>
      %dma_wait3A_47 = arith.constant 0 : i32
      %dma_wait3A_48 = tpu.memref_slice %arg4[%add3A_34, %dma_wait3A_47] : memref<1280x3328xf32, #tpu.memory_space<hbm>> -> memref<8x3328xf32, #tpu.memory_space<hbm>>
      tpu.wait_dma2 semaphore(%run_scoped3A : memref<!tpu.dma_semaphore, #tpu.memory_space<semaphore_mem>>) src(%arg6 : memref<8x3328xf32, #tpu.memory_space<vmem>>) dst(%dma_wait3A_48 : memref<8x3328xf32, #tpu.memory_space<hbm>>)
      tpu.yield
    }) : () -> ()
    return
  }
}

#map = affine_map<(d0, d1) -> (0, 0)>
#map1 = affine_map<(d0, d1) -> (0)>
module attributes {stable_mosaic.version = 14 : i64} {
  func.func @body(%arg0: i32, %arg1: i32, %arg2: memref<1280x1024xf32, #tpu.memory_space<hbm>>, %arg3: memref<1024xi32, #tpu.memory_space<hbm>>, %arg4: memref<1024x1024xf32, #tpu.memory_space<hbm>>, %arg5: memref<32xi32, #tpu.memory_space<vmem>>, %arg6: memref<32x1024xf32, #tpu.memory_space<vmem>>, %arg7: memref<!tpu.dma_semaphore, #tpu.memory_space<semaphore_mem>>) attributes {dimension_semantics = [#tpu.dimension_semantics<core_parallel>, #tpu.dimension_semantics<subcore_parallel>], iteration_bounds = array<i64: 2, 16>, scalar_prefetch = 0 : i64, scratch_operands = 3 : i64, tpu.core_type = #tpu.core_type<sc_vector_subcore>, window_params = [{transform_indices = #map}, {transform_indices = #map1}, {transform_indices = #map}]} {
    %mul3A = arith.constant 2 : i32
    %mul3A_0 = arith.muli %arg1, %mul3A : i32
    %add3A = arith.addi %mul3A_0, %arg0 : i32
    %mul3A_1 = arith.constant 32 : i32
    %mul3A_2 = arith.muli %add3A, %mul3A_1 : i32
    %add3A_3 = arith.constant 0 : i32
    %add3A_4 = arith.addi %mul3A_2, %add3A_3 : i32
    "tpu.region"() ({
      %run_scoped3A = tpu.sem_alloc : memref<!tpu.dma_semaphore, #tpu.memory_space<semaphore_mem>>
      %dma_start3A_9 = tpu.memref_slice %arg3[%add3A_4] : memref<1024xi32, #tpu.memory_space<hbm>> -> memref<32xi32, #tpu.memory_space<hbm>>
      %dma_start3A_10 = tpu.memref_slice %arg3[%add3A_4] : memref<1024xi32, #tpu.memory_space<hbm>> -> memref<32xi32, #tpu.memory_space<hbm>>
      tpu.enqueue_dma source(%dma_start3A_10 : memref<32xi32, #tpu.memory_space<hbm>>) target(%arg5 : memref<32xi32, #tpu.memory_space<vmem>>) target_semaphore(%run_scoped3A : memref<!tpu.dma_semaphore, #tpu.memory_space<semaphore_mem>>)
      %dma_wait3A_11 = tpu.memref_slice %arg3[%add3A_4] : memref<1024xi32, #tpu.memory_space<hbm>> -> memref<32xi32, #tpu.memory_space<hbm>>
      %dma_wait3A_12 = tpu.memref_slice %arg3[%add3A_4] : memref<1024xi32, #tpu.memory_space<hbm>> -> memref<32xi32, #tpu.memory_space<hbm>>
      tpu.wait_dma2 semaphore(%run_scoped3A : memref<!tpu.dma_semaphore, #tpu.memory_space<semaphore_mem>>) src(%dma_wait3A_12 : memref<32xi32, #tpu.memory_space<hbm>>) dst(%arg5 : memref<32xi32, #tpu.memory_space<vmem>>)
      tpu.yield
    }) : () -> ()
    %dma_start3A = arith.constant 0 : i32
    %dma_start3A_5 = arith.constant 0 : i32
    %dma_start3A_6 = tpu.memref_slice %arg2[%dma_start3A, %dma_start3A_5] : memref<1280x1024xf32, #tpu.memory_space<hbm>> -> memref<1280x1024xf32, #tpu.memory_space<hbm>>
    tpu.enqueue_indirect_dma source(%dma_start3A_6 : memref<1280x1024xf32, #tpu.memory_space<hbm>>) target(%arg6 : memref<32x1024xf32, #tpu.memory_space<vmem>>) offsets(%arg5 : memref<32xi32, #tpu.memory_space<vmem>>) semaphore(%arg7 : memref<!tpu.dma_semaphore, #tpu.memory_space<semaphore_mem>>)
    %dma_wait3A = arith.constant 0 : i32
    %dma_wait3A_7 = arith.constant 0 : i32
    %dma_wait3A_8 = tpu.memref_slice %arg2[%dma_wait3A, %dma_wait3A_7] : memref<1280x1024xf32, #tpu.memory_space<hbm>> -> memref<1280x1024xf32, #tpu.memory_space<hbm>>
    tpu.wait_indirect_dma semaphore(%arg7 : memref<!tpu.dma_semaphore, #tpu.memory_space<semaphore_mem>>) src(%dma_wait3A_8 : memref<1280x1024xf32, #tpu.memory_space<hbm>>) dst(%arg6 : memref<32x1024xf32, #tpu.memory_space<vmem>>)
    "tpu.region"() ({
      %run_scoped3A = tpu.sem_alloc : memref<!tpu.dma_semaphore, #tpu.memory_space<semaphore_mem>>
      %dma_start3A_9 = arith.constant 0 : i32
      %dma_start3A_10 = tpu.memref_slice %arg4[%add3A_4, %dma_start3A_9] : memref<1024x1024xf32, #tpu.memory_space<hbm>> -> memref<32x1024xf32, #tpu.memory_space<hbm>>
      %dma_start3A_11 = arith.constant 0 : i32
      %dma_start3A_12 = tpu.memref_slice %arg4[%add3A_4, %dma_start3A_11] : memref<1024x1024xf32, #tpu.memory_space<hbm>> -> memref<32x1024xf32, #tpu.memory_space<hbm>>
      tpu.enqueue_dma source(%arg6 : memref<32x1024xf32, #tpu.memory_space<vmem>>) target(%dma_start3A_12 : memref<32x1024xf32, #tpu.memory_space<hbm>>) target_semaphore(%run_scoped3A : memref<!tpu.dma_semaphore, #tpu.memory_space<semaphore_mem>>)
      %dma_wait3A_13 = arith.constant 0 : i32
      %dma_wait3A_14 = tpu.memref_slice %arg4[%add3A_4, %dma_wait3A_13] : memref<1024x1024xf32, #tpu.memory_space<hbm>> -> memref<32x1024xf32, #tpu.memory_space<hbm>>
      %dma_wait3A_15 = arith.constant 0 : i32
      %dma_wait3A_16 = tpu.memref_slice %arg4[%add3A_4, %dma_wait3A_15] : memref<1024x1024xf32, #tpu.memory_space<hbm>> -> memref<32x1024xf32, #tpu.memory_space<hbm>>
      tpu.wait_dma2 semaphore(%run_scoped3A : memref<!tpu.dma_semaphore, #tpu.memory_space<semaphore_mem>>) src(%arg6 : memref<32x1024xf32, #tpu.memory_space<vmem>>) dst(%dma_wait3A_16 : memref<32x1024xf32, #tpu.memory_space<hbm>>)
      tpu.yield
    }) : () -> ()
    return
  }
}

module attributes {stable_mosaic.version = 14 : i64} {
  func.func @_route_kernel(%arg0: memref<1024x3072xf32, #tpu.memory_space<vmem>>, %arg1: memref<3072x8xf32, #tpu.memory_space<vmem>>, %arg2: memref<1x8xf32, #tpu.memory_space<vmem>>, %arg3: memref<1024x8xf32, #tpu.memory_space<vmem>>, %arg4: memref<1024x1xi32, #tpu.memory_space<vmem>>, %arg5: memref<1280x1xi32, #tpu.memory_space<vmem>>, %arg6: memref<1280x1xf32, #tpu.memory_space<vmem>>, %arg7: memref<40x1xi32, #tpu.memory_space<vmem>>, %arg8: memref<1x1xf32, #tpu.memory_space<vmem>>, %arg9: memref<1x8xf32, #tpu.memory_space<vmem>>) attributes {dimension_semantics = [], scalar_prefetch = 0 : i64, scratch_operands = 0 : i64, tpu.core_type = #tpu.core_type<tc>} {
    %get3A = arith.constant 0 : index
    %get3A_0 = arith.constant 0 : index
    %get3A_1 = vector.load %arg0[%get3A, %get3A_0] : memref<1024x3072xf32, #tpu.memory_space<vmem>>, vector<1024x3072xf32>
    %get3A_2 = arith.constant 0 : index
    %get3A_3 = arith.constant 0 : index
    %get3A_4 = vector.load %arg1[%get3A_2, %get3A_3] : memref<3072x8xf32, #tpu.memory_space<vmem>>, vector<3072x8xf32>
    %dot_general3A = arith.constant dense<0.000000e+00> : vector<1024x8xf32>
    %dot_general3A_5 = tpu.matmul %get3A_1, %get3A_4, %dot_general3A {dimension_numbers = #tpu.dot_dimension_numbers<[1], [0], [0], [1], [0, 0, 1, 1], [], []>, transpose_lhs_hint = false} : vector<1024x3072xf32>, vector<3072x8xf32>, vector<1024x8xf32> -> vector<1024x8xf32>
    %get3A_6 = arith.constant 0 : index
    %get3A_7 = arith.constant 0 : index
    %get3A_8 = vector.load %arg2[%get3A_6, %get3A_7] : memref<1x8xf32, #tpu.memory_space<vmem>>, vector<1x8xf32>
    %mul3A = arith.constant 6.400000e+01 : f32
    %mul3A_9 = vector.broadcast %mul3A : f32 to vector<1x8xf32>
    %mul3A_10 = arith.mulf %mul3A_9, %get3A_8 : vector<1x8xf32>
    %add3A = vector.broadcast %mul3A_10 : vector<1x8xf32> to vector<1024x8xf32>
    %add3A_11 = arith.addf %dot_general3A_5, %add3A : vector<1024x8xf32>
    %reduce_max3A = arith.constant dense<0xFF800000> : vector<1024xf32>
    %reduce_max3A_12 = vector.multi_reduction <maximumf>, %add3A_11, %reduce_max3A [1] : vector<1024x8xf32> to vector<1024xf32>
    %broadcast_in_dim3A = vector.shape_cast %reduce_max3A_12 : vector<1024xf32> to vector<1024x1xf32>
    %sub3A = vector.broadcast %broadcast_in_dim3A : vector<1024x1xf32> to vector<1024x8xf32>
    %sub3A_13 = arith.subf %add3A_11, %sub3A : vector<1024x8xf32>
    %exp3A = math.exp %sub3A_13 : vector<1024x8xf32>
    %reduce_sum3A = arith.constant dense<0.000000e+00> : vector<1024xf32>
    %reduce_sum3A_14 = vector.multi_reduction <add>, %exp3A, %reduce_sum3A [1] : vector<1024x8xf32> to vector<1024xf32>
    %broadcast_in_dim3A_15 = vector.shape_cast %reduce_sum3A_14 : vector<1024xf32> to vector<1024x1xf32>
    %div3A = vector.broadcast %broadcast_in_dim3A_15 : vector<1024x1xf32> to vector<1024x8xf32>
    %div3A_16 = arith.divf %exp3A, %div3A : vector<1024x8xf32>
    %reduce_max3A_17 = vector.shape_cast %div3A_16 : vector<1024x8xf32> to vector<1x1024x8xf32>
    %reduce_max3A_18 = arith.constant dense<0xFF800000> : vector<1xf32>
    %reduce_max3A_19 = vector.multi_reduction <maximumf>, %reduce_max3A_17, %reduce_max3A_18 [1, 2] : vector<1x1024x8xf32> to vector<1xf32>
    %reduce_max3A_20 = vector.shape_cast %reduce_max3A_19 : vector<1xf32> to vector<1x1x1xf32>
    %reduce_max3A_21 = vector.extract %reduce_max3A_20[0, 0, 0] : f32 from vector<1x1x1xf32>
    %div3A_22 = vector.broadcast %reduce_max3A_21 : f32 to vector<1024x8xf32>
    %div3A_23 = arith.divf %div3A_16, %div3A_22 : vector<1024x8xf32>
    %div3A_24 = arith.constant 1.000000e-01 : f32
    %div3A_25 = vector.broadcast %div3A_24 : f32 to vector<1024x8xf32>
    %div3A_26 = arith.divf %div3A_23, %div3A_25 : vector<1024x8xf32>
    %exp3A_27 = math.exp %div3A_26 : vector<1024x8xf32>
    %broadcast_in_dim3A_28 = arith.constant 1.000000e+00 : f32
    %broadcast_in_dim3A_29 = vector.broadcast %broadcast_in_dim3A_28 : f32 to vector<1024x1xf32>
    %mul3A_30 = vector.broadcast %broadcast_in_dim3A_29 : vector<1024x1xf32> to vector<1024x8xf32>
    %mul3A_31 = arith.mulf %exp3A_27, %mul3A_30 : vector<1024x8xf32>
    %reduce_sum3A_32 = arith.constant dense<0.000000e+00> : vector<8xf32>
    %reduce_sum3A_33 = vector.multi_reduction <add>, %mul3A_31, %reduce_sum3A_32 [0] : vector<1024x8xf32> to vector<8xf32>
    %broadcast_in_dim3A_34 = vector.shape_cast %reduce_sum3A_33 : vector<8xf32> to vector<1x8xf32>
    %add3A_35 = arith.constant 9.99999971E-10 : f32
    %add3A_36 = vector.broadcast %add3A_35 : f32 to vector<1x8xf32>
    %add3A_37 = arith.addf %broadcast_in_dim3A_34, %add3A_36 : vector<1x8xf32>
    %div3A_38 = arith.constant 1.280000e+02 : f32
    %div3A_39 = vector.broadcast %div3A_38 : f32 to vector<1x8xf32>
    %div3A_40 = arith.divf %div3A_39, %add3A_37 : vector<1x8xf32>
    %mul3A_41 = vector.broadcast %div3A_40 : vector<1x8xf32> to vector<1024x8xf32>
    %mul3A_42 = arith.mulf %exp3A_27, %mul3A_41 : vector<1024x8xf32>
    %reduce_sum3A_43 = arith.constant dense<0.000000e+00> : vector<1024xf32>
    %reduce_sum3A_44 = vector.multi_reduction <add>, %mul3A_42, %reduce_sum3A_43 [1] : vector<1024x8xf32> to vector<1024xf32>
    %broadcast_in_dim3A_45 = vector.shape_cast %reduce_sum3A_44 : vector<1024xf32> to vector<1024x1xf32>
    %add3A_46 = arith.constant 9.99999971E-10 : f32
    %add3A_47 = vector.broadcast %add3A_46 : f32 to vector<1024x1xf32>
    %add3A_48 = arith.addf %broadcast_in_dim3A_45, %add3A_47 : vector<1024x1xf32>
    %div3A_49 = arith.constant 1.000000e+00 : f32
    %div3A_50 = vector.broadcast %div3A_49 : f32 to vector<1024x1xf32>
    %div3A_51 = arith.divf %div3A_50, %add3A_48 : vector<1024x1xf32>
    %mul3A_52 = vector.broadcast %div3A_51 : vector<1024x1xf32> to vector<1024x8xf32>
    %mul3A_53 = arith.mulf %exp3A_27, %mul3A_52 : vector<1024x8xf32>
    %reduce_sum3A_54 = arith.constant dense<0.000000e+00> : vector<8xf32>
    %reduce_sum3A_55 = vector.multi_reduction <add>, %mul3A_53, %reduce_sum3A_54 [0] : vector<1024x8xf32> to vector<8xf32>
    %broadcast_in_dim3A_56 = vector.shape_cast %reduce_sum3A_55 : vector<8xf32> to vector<1x8xf32>
    %add3A_57 = arith.constant 9.99999971E-10 : f32
    %add3A_58 = vector.broadcast %add3A_57 : f32 to vector<1x8xf32>
    %add3A_59 = arith.addf %broadcast_in_dim3A_56, %add3A_58 : vector<1x8xf32>
    %div3A_60 = arith.constant 1.280000e+02 : f32
    %div3A_61 = vector.broadcast %div3A_60 : f32 to vector<1x8xf32>
    %div3A_62 = arith.divf %div3A_61, %add3A_59 : vector<1x8xf32>
    %mul3A_63 = vector.broadcast %div3A_62 : vector<1x8xf32> to vector<1024x8xf32>
    %mul3A_64 = arith.mulf %exp3A_27, %mul3A_63 : vector<1024x8xf32>
    %reduce_sum3A_65 = arith.constant dense<0.000000e+00> : vector<1024xf32>
    %reduce_sum3A_66 = vector.multi_reduction <add>, %mul3A_64, %reduce_sum3A_65 [1] : vector<1024x8xf32> to vector<1024xf32>
    %broadcast_in_dim3A_67 = vector.shape_cast %reduce_sum3A_66 : vector<1024xf32> to vector<1024x1xf32>
    %add3A_68 = arith.constant 9.99999971E-10 : f32
    %add3A_69 = vector.broadcast %add3A_68 : f32 to vector<1024x1xf32>
    %add3A_70 = arith.addf %broadcast_in_dim3A_67, %add3A_69 : vector<1024x1xf32>
    %div3A_71 = arith.constant 1.000000e+00 : f32
    %div3A_72 = vector.broadcast %div3A_71 : f32 to vector<1024x1xf32>
    %div3A_73 = arith.divf %div3A_72, %add3A_70 : vector<1024x1xf32>
    %mul3A_74 = vector.broadcast %div3A_73 : vector<1024x1xf32> to vector<1024x8xf32>
    %mul3A_75 = arith.mulf %exp3A_27, %mul3A_74 : vector<1024x8xf32>
    %reduce_sum3A_76 = arith.constant dense<0.000000e+00> : vector<8xf32>
    %reduce_sum3A_77 = vector.multi_reduction <add>, %mul3A_75, %reduce_sum3A_76 [0] : vector<1024x8xf32> to vector<8xf32>
    %broadcast_in_dim3A_78 = vector.shape_cast %reduce_sum3A_77 : vector<8xf32> to vector<1x8xf32>
    %add3A_79 = arith.constant 9.99999971E-10 : f32
    %add3A_80 = vector.broadcast %add3A_79 : f32 to vector<1x8xf32>
    %add3A_81 = arith.addf %broadcast_in_dim3A_78, %add3A_80 : vector<1x8xf32>
    %div3A_82 = arith.constant 1.280000e+02 : f32
    %div3A_83 = vector.broadcast %div3A_82 : f32 to vector<1x8xf32>
    %div3A_84 = arith.divf %div3A_83, %add3A_81 : vector<1x8xf32>
    %mul3A_85 = vector.broadcast %div3A_84 : vector<1x8xf32> to vector<1024x8xf32>
    %mul3A_86 = arith.mulf %exp3A_27, %mul3A_85 : vector<1024x8xf32>
    %reduce_sum3A_87 = arith.constant dense<0.000000e+00> : vector<1024xf32>
    %reduce_sum3A_88 = vector.multi_reduction <add>, %mul3A_86, %reduce_sum3A_87 [1] : vector<1024x8xf32> to vector<1024xf32>
    %broadcast_in_dim3A_89 = vector.shape_cast %reduce_sum3A_88 : vector<1024xf32> to vector<1024x1xf32>
    %add3A_90 = arith.constant 9.99999971E-10 : f32
    %add3A_91 = vector.broadcast %add3A_90 : f32 to vector<1024x1xf32>
    %add3A_92 = arith.addf %broadcast_in_dim3A_89, %add3A_91 : vector<1024x1xf32>
    %div3A_93 = arith.constant 1.000000e+00 : f32
    %div3A_94 = vector.broadcast %div3A_93 : f32 to vector<1024x1xf32>
    %div3A_95 = arith.divf %div3A_94, %add3A_92 : vector<1024x1xf32>
    %mul3A_96 = vector.broadcast %div3A_95 : vector<1024x1xf32> to vector<1024x8xf32>
    %mul3A_97 = arith.mulf %exp3A_27, %mul3A_96 : vector<1024x8xf32>
    %reduce_sum3A_98 = arith.constant dense<0.000000e+00> : vector<8xf32>
    %reduce_sum3A_99 = vector.multi_reduction <add>, %mul3A_97, %reduce_sum3A_98 [0] : vector<1024x8xf32> to vector<8xf32>
    %broadcast_in_dim3A_100 = vector.shape_cast %reduce_sum3A_99 : vector<8xf32> to vector<1x8xf32>
    %add3A_101 = arith.constant 9.99999971E-10 : f32
    %add3A_102 = vector.broadcast %add3A_101 : f32 to vector<1x8xf32>
    %add3A_103 = arith.addf %broadcast_in_dim3A_100, %add3A_102 : vector<1x8xf32>
    %div3A_104 = arith.constant 1.280000e+02 : f32
    %div3A_105 = vector.broadcast %div3A_104 : f32 to vector<1x8xf32>
    %div3A_106 = arith.divf %div3A_105, %add3A_103 : vector<1x8xf32>
    %mul3A_107 = vector.broadcast %div3A_106 : vector<1x8xf32> to vector<1024x8xf32>
    %mul3A_108 = arith.mulf %exp3A_27, %mul3A_107 : vector<1024x8xf32>
    %reduce_sum3A_109 = arith.constant dense<0.000000e+00> : vector<1024xf32>
    %reduce_sum3A_110 = vector.multi_reduction <add>, %mul3A_108, %reduce_sum3A_109 [1] : vector<1024x8xf32> to vector<1024xf32>
    %broadcast_in_dim3A_111 = vector.shape_cast %reduce_sum3A_110 : vector<1024xf32> to vector<1024x1xf32>
    %add3A_112 = arith.constant 9.99999971E-10 : f32
    %add3A_113 = vector.broadcast %add3A_112 : f32 to vector<1024x1xf32>
    %add3A_114 = arith.addf %broadcast_in_dim3A_111, %add3A_113 : vector<1024x1xf32>
    %div3A_115 = arith.constant 1.000000e+00 : f32
    %div3A_116 = vector.broadcast %div3A_115 : f32 to vector<1024x1xf32>
    %div3A_117 = arith.divf %div3A_116, %add3A_114 : vector<1024x1xf32>
    %mul3A_118 = vector.broadcast %div3A_117 : vector<1024x1xf32> to vector<1024x8xf32>
    %mul3A_119 = arith.mulf %exp3A_27, %mul3A_118 : vector<1024x8xf32>
    %reduce_sum3A_120 = arith.constant dense<0.000000e+00> : vector<8xf32>
    %reduce_sum3A_121 = vector.multi_reduction <add>, %mul3A_119, %reduce_sum3A_120 [0] : vector<1024x8xf32> to vector<8xf32>
    %broadcast_in_dim3A_122 = vector.shape_cast %reduce_sum3A_121 : vector<8xf32> to vector<1x8xf32>
    %add3A_123 = arith.constant 9.99999971E-10 : f32
    %add3A_124 = vector.broadcast %add3A_123 : f32 to vector<1x8xf32>
    %add3A_125 = arith.addf %broadcast_in_dim3A_122, %add3A_124 : vector<1x8xf32>
    %div3A_126 = arith.constant 1.280000e+02 : f32
    %div3A_127 = vector.broadcast %div3A_126 : f32 to vector<1x8xf32>
    %div3A_128 = arith.divf %div3A_127, %add3A_125 : vector<1x8xf32>
    %mul3A_129 = vector.broadcast %div3A_128 : vector<1x8xf32> to vector<1024x8xf32>
    %mul3A_130 = arith.mulf %exp3A_27, %mul3A_129 : vector<1024x8xf32>
    %reduce_sum3A_131 = arith.constant dense<0.000000e+00> : vector<1024xf32>
    %reduce_sum3A_132 = vector.multi_reduction <add>, %mul3A_130, %reduce_sum3A_131 [1] : vector<1024x8xf32> to vector<1024xf32>
    %broadcast_in_dim3A_133 = vector.shape_cast %reduce_sum3A_132 : vector<1024xf32> to vector<1024x1xf32>
    %add3A_134 = arith.constant 9.99999971E-10 : f32
    %add3A_135 = vector.broadcast %add3A_134 : f32 to vector<1024x1xf32>
    %add3A_136 = arith.addf %broadcast_in_dim3A_133, %add3A_135 : vector<1024x1xf32>
    %div3A_137 = arith.constant 1.000000e+00 : f32
    %div3A_138 = vector.broadcast %div3A_137 : f32 to vector<1024x1xf32>
    %div3A_139 = arith.divf %div3A_138, %add3A_136 : vector<1024x1xf32>
    %mul3A_140 = vector.broadcast %div3A_139 : vector<1024x1xf32> to vector<1024x8xf32>
    %mul3A_141 = arith.mulf %exp3A_27, %mul3A_140 : vector<1024x8xf32>
    %reduce_sum3A_142 = arith.constant dense<0.000000e+00> : vector<8xf32>
    %reduce_sum3A_143 = vector.multi_reduction <add>, %mul3A_141, %reduce_sum3A_142 [0] : vector<1024x8xf32> to vector<8xf32>
    %broadcast_in_dim3A_144 = vector.shape_cast %reduce_sum3A_143 : vector<8xf32> to vector<1x8xf32>
    %add3A_145 = arith.constant 9.99999971E-10 : f32
    %add3A_146 = vector.broadcast %add3A_145 : f32 to vector<1x8xf32>
    %add3A_147 = arith.addf %broadcast_in_dim3A_144, %add3A_146 : vector<1x8xf32>
    %div3A_148 = arith.constant 1.280000e+02 : f32
    %div3A_149 = vector.broadcast %div3A_148 : f32 to vector<1x8xf32>
    %div3A_150 = arith.divf %div3A_149, %add3A_147 : vector<1x8xf32>
    %mul3A_151 = vector.broadcast %div3A_150 : vector<1x8xf32> to vector<1024x8xf32>
    %mul3A_152 = arith.mulf %exp3A_27, %mul3A_151 : vector<1024x8xf32>
    %reduce_sum3A_153 = arith.constant dense<0.000000e+00> : vector<1024xf32>
    %reduce_sum3A_154 = vector.multi_reduction <add>, %mul3A_152, %reduce_sum3A_153 [1] : vector<1024x8xf32> to vector<1024xf32>
    %broadcast_in_dim3A_155 = vector.shape_cast %reduce_sum3A_154 : vector<1024xf32> to vector<1024x1xf32>
    %add3A_156 = arith.constant 9.99999971E-10 : f32
    %add3A_157 = vector.broadcast %add3A_156 : f32 to vector<1024x1xf32>
    %add3A_158 = arith.addf %broadcast_in_dim3A_155, %add3A_157 : vector<1024x1xf32>
    %div3A_159 = arith.constant 1.000000e+00 : f32
    %div3A_160 = vector.broadcast %div3A_159 : f32 to vector<1024x1xf32>
    %div3A_161 = arith.divf %div3A_160, %add3A_158 : vector<1024x1xf32>
    %mul3A_162 = vector.broadcast %div3A_161 : vector<1024x1xf32> to vector<1024x8xf32>
    %mul3A_163 = arith.mulf %exp3A_27, %mul3A_162 : vector<1024x8xf32>
    %reduce_sum3A_164 = arith.constant dense<0.000000e+00> : vector<8xf32>
    %reduce_sum3A_165 = vector.multi_reduction <add>, %mul3A_163, %reduce_sum3A_164 [0] : vector<1024x8xf32> to vector<8xf32>
    %broadcast_in_dim3A_166 = vector.shape_cast %reduce_sum3A_165 : vector<8xf32> to vector<1x8xf32>
    %add3A_167 = arith.constant 9.99999971E-10 : f32
    %add3A_168 = vector.broadcast %add3A_167 : f32 to vector<1x8xf32>
    %add3A_169 = arith.addf %broadcast_in_dim3A_166, %add3A_168 : vector<1x8xf32>
    %div3A_170 = arith.constant 1.280000e+02 : f32
    %div3A_171 = vector.broadcast %div3A_170 : f32 to vector<1x8xf32>
    %div3A_172 = arith.divf %div3A_171, %add3A_169 : vector<1x8xf32>
    %mul3A_173 = vector.broadcast %div3A_172 : vector<1x8xf32> to vector<1024x8xf32>
    %mul3A_174 = arith.mulf %exp3A_27, %mul3A_173 : vector<1024x8xf32>
    %reduce_sum3A_175 = arith.constant dense<0.000000e+00> : vector<1024xf32>
    %reduce_sum3A_176 = vector.multi_reduction <add>, %mul3A_174, %reduce_sum3A_175 [1] : vector<1024x8xf32> to vector<1024xf32>
    %broadcast_in_dim3A_177 = vector.shape_cast %reduce_sum3A_176 : vector<1024xf32> to vector<1024x1xf32>
    %add3A_178 = arith.constant 9.99999971E-10 : f32
    %add3A_179 = vector.broadcast %add3A_178 : f32 to vector<1024x1xf32>
    %add3A_180 = arith.addf %broadcast_in_dim3A_177, %add3A_179 : vector<1024x1xf32>
    %div3A_181 = arith.constant 1.000000e+00 : f32
    %div3A_182 = vector.broadcast %div3A_181 : f32 to vector<1024x1xf32>
    %div3A_183 = arith.divf %div3A_182, %add3A_180 : vector<1024x1xf32>
    %mul3A_184 = vector.broadcast %div3A_183 : vector<1024x1xf32> to vector<1024x8xf32>
    %mul3A_185 = arith.mulf %exp3A_27, %mul3A_184 : vector<1024x8xf32>
    %reduce_sum3A_186 = arith.constant dense<0.000000e+00> : vector<8xf32>
    %reduce_sum3A_187 = vector.multi_reduction <add>, %mul3A_185, %reduce_sum3A_186 [0] : vector<1024x8xf32> to vector<8xf32>
    %broadcast_in_dim3A_188 = vector.shape_cast %reduce_sum3A_187 : vector<8xf32> to vector<1x8xf32>
    %add3A_189 = arith.constant 9.99999971E-10 : f32
    %add3A_190 = vector.broadcast %add3A_189 : f32 to vector<1x8xf32>
    %add3A_191 = arith.addf %broadcast_in_dim3A_188, %add3A_190 : vector<1x8xf32>
    %div3A_192 = arith.constant 1.280000e+02 : f32
    %div3A_193 = vector.broadcast %div3A_192 : f32 to vector<1x8xf32>
    %div3A_194 = arith.divf %div3A_193, %add3A_191 : vector<1x8xf32>
    %mul3A_195 = vector.broadcast %div3A_194 : vector<1x8xf32> to vector<1024x8xf32>
    %mul3A_196 = arith.mulf %exp3A_27, %mul3A_195 : vector<1024x8xf32>
    %reduce_sum3A_197 = arith.constant dense<0.000000e+00> : vector<1024xf32>
    %reduce_sum3A_198 = vector.multi_reduction <add>, %mul3A_196, %reduce_sum3A_197 [1] : vector<1024x8xf32> to vector<1024xf32>
    %broadcast_in_dim3A_199 = vector.shape_cast %reduce_sum3A_198 : vector<1024xf32> to vector<1024x1xf32>
    %add3A_200 = arith.constant 9.99999971E-10 : f32
    %add3A_201 = vector.broadcast %add3A_200 : f32 to vector<1024x1xf32>
    %add3A_202 = arith.addf %broadcast_in_dim3A_199, %add3A_201 : vector<1024x1xf32>
    %div3A_203 = arith.constant 1.000000e+00 : f32
    %div3A_204 = vector.broadcast %div3A_203 : f32 to vector<1024x1xf32>
    %div3A_205 = arith.divf %div3A_204, %add3A_202 : vector<1024x1xf32>
    %mul3A_206 = vector.broadcast %div3A_205 : vector<1024x1xf32> to vector<1024x8xf32>
    %mul3A_207 = arith.mulf %exp3A_27, %mul3A_206 : vector<1024x8xf32>
    %reduce_sum3A_208 = arith.constant dense<0.000000e+00> : vector<8xf32>
    %reduce_sum3A_209 = vector.multi_reduction <add>, %mul3A_207, %reduce_sum3A_208 [0] : vector<1024x8xf32> to vector<8xf32>
    %broadcast_in_dim3A_210 = vector.shape_cast %reduce_sum3A_209 : vector<8xf32> to vector<1x8xf32>
    %add3A_211 = arith.constant 9.99999971E-10 : f32
    %add3A_212 = vector.broadcast %add3A_211 : f32 to vector<1x8xf32>
    %add3A_213 = arith.addf %broadcast_in_dim3A_210, %add3A_212 : vector<1x8xf32>
    %div3A_214 = arith.constant 1.280000e+02 : f32
    %div3A_215 = vector.broadcast %div3A_214 : f32 to vector<1x8xf32>
    %div3A_216 = arith.divf %div3A_215, %add3A_213 : vector<1x8xf32>
    %mul3A_217 = vector.broadcast %div3A_216 : vector<1x8xf32> to vector<1024x8xf32>
    %mul3A_218 = arith.mulf %exp3A_27, %mul3A_217 : vector<1024x8xf32>
    %reduce_sum3A_219 = arith.constant dense<0.000000e+00> : vector<1024xf32>
    %reduce_sum3A_220 = vector.multi_reduction <add>, %mul3A_218, %reduce_sum3A_219 [1] : vector<1024x8xf32> to vector<1024xf32>
    %broadcast_in_dim3A_221 = vector.shape_cast %reduce_sum3A_220 : vector<1024xf32> to vector<1024x1xf32>
    %add3A_222 = arith.constant 9.99999971E-10 : f32
    %add3A_223 = vector.broadcast %add3A_222 : f32 to vector<1024x1xf32>
    %add3A_224 = arith.addf %broadcast_in_dim3A_221, %add3A_223 : vector<1024x1xf32>
    %div3A_225 = arith.constant 1.000000e+00 : f32
    %div3A_226 = vector.broadcast %div3A_225 : f32 to vector<1024x1xf32>
    %div3A_227 = arith.divf %div3A_226, %add3A_224 : vector<1024x1xf32>
    %mul3A_228 = vector.broadcast %div3A_227 : vector<1024x1xf32> to vector<1024x8xf32>
    %mul3A_229 = arith.mulf %exp3A_27, %mul3A_228 : vector<1024x8xf32>
    %reduce_sum3A_230 = arith.constant dense<0.000000e+00> : vector<8xf32>
    %reduce_sum3A_231 = vector.multi_reduction <add>, %mul3A_229, %reduce_sum3A_230 [0] : vector<1024x8xf32> to vector<8xf32>
    %broadcast_in_dim3A_232 = vector.shape_cast %reduce_sum3A_231 : vector<8xf32> to vector<1x8xf32>
    %add3A_233 = arith.constant 9.99999971E-10 : f32
    %add3A_234 = vector.broadcast %add3A_233 : f32 to vector<1x8xf32>
    %add3A_235 = arith.addf %broadcast_in_dim3A_232, %add3A_234 : vector<1x8xf32>
    %div3A_236 = arith.constant 1.280000e+02 : f32
    %div3A_237 = vector.broadcast %div3A_236 : f32 to vector<1x8xf32>
    %div3A_238 = arith.divf %div3A_237, %add3A_235 : vector<1x8xf32>
    %mul3A_239 = vector.broadcast %div3A_238 : vector<1x8xf32> to vector<1024x8xf32>
    %mul3A_240 = arith.mulf %exp3A_27, %mul3A_239 : vector<1024x8xf32>
    %reduce_sum3A_241 = arith.constant dense<0.000000e+00> : vector<1024xf32>
    %reduce_sum3A_242 = vector.multi_reduction <add>, %mul3A_240, %reduce_sum3A_241 [1] : vector<1024x8xf32> to vector<1024xf32>
    %broadcast_in_dim3A_243 = vector.shape_cast %reduce_sum3A_242 : vector<1024xf32> to vector<1024x1xf32>
    %add3A_244 = arith.constant 9.99999971E-10 : f32
    %add3A_245 = vector.broadcast %add3A_244 : f32 to vector<1024x1xf32>
    %add3A_246 = arith.addf %broadcast_in_dim3A_243, %add3A_245 : vector<1024x1xf32>
    %div3A_247 = arith.constant 1.000000e+00 : f32
    %div3A_248 = vector.broadcast %div3A_247 : f32 to vector<1024x1xf32>
    %div3A_249 = arith.divf %div3A_248, %add3A_246 : vector<1024x1xf32>
    %mul3A_250 = vector.broadcast %div3A_249 : vector<1024x1xf32> to vector<1024x8xf32>
    %mul3A_251 = arith.mulf %exp3A_27, %mul3A_250 : vector<1024x8xf32>
    %reduce_sum3A_252 = arith.constant dense<0.000000e+00> : vector<8xf32>
    %reduce_sum3A_253 = vector.multi_reduction <add>, %mul3A_251, %reduce_sum3A_252 [0] : vector<1024x8xf32> to vector<8xf32>
    %broadcast_in_dim3A_254 = vector.shape_cast %reduce_sum3A_253 : vector<8xf32> to vector<1x8xf32>
    %add3A_255 = arith.constant 9.99999971E-10 : f32
    %add3A_256 = vector.broadcast %add3A_255 : f32 to vector<1x8xf32>
    %add3A_257 = arith.addf %broadcast_in_dim3A_254, %add3A_256 : vector<1x8xf32>
    %div3A_258 = arith.constant 1.280000e+02 : f32
    %div3A_259 = vector.broadcast %div3A_258 : f32 to vector<1x8xf32>
    %div3A_260 = arith.divf %div3A_259, %add3A_257 : vector<1x8xf32>
    %mul3A_261 = vector.broadcast %div3A_260 : vector<1x8xf32> to vector<1024x8xf32>
    %mul3A_262 = arith.mulf %exp3A_27, %mul3A_261 : vector<1024x8xf32>
    %reduce_sum3A_263 = arith.constant dense<0.000000e+00> : vector<1024xf32>
    %reduce_sum3A_264 = vector.multi_reduction <add>, %mul3A_262, %reduce_sum3A_263 [1] : vector<1024x8xf32> to vector<1024xf32>
    %broadcast_in_dim3A_265 = vector.shape_cast %reduce_sum3A_264 : vector<1024xf32> to vector<1024x1xf32>
    %add3A_266 = arith.constant 9.99999971E-10 : f32
    %add3A_267 = vector.broadcast %add3A_266 : f32 to vector<1024x1xf32>
    %add3A_268 = arith.addf %broadcast_in_dim3A_265, %add3A_267 : vector<1024x1xf32>
    %div3A_269 = arith.constant 1.000000e+00 : f32
    %div3A_270 = vector.broadcast %div3A_269 : f32 to vector<1024x1xf32>
    %div3A_271 = arith.divf %div3A_270, %add3A_268 : vector<1024x1xf32>
    %mul3A_272 = vector.broadcast %div3A_271 : vector<1024x1xf32> to vector<1024x8xf32>
    %mul3A_273 = arith.mulf %exp3A_27, %mul3A_272 : vector<1024x8xf32>
    %reduce_sum3A_274 = arith.constant dense<0.000000e+00> : vector<8xf32>
    %reduce_sum3A_275 = vector.multi_reduction <add>, %mul3A_273, %reduce_sum3A_274 [0] : vector<1024x8xf32> to vector<8xf32>
    %broadcast_in_dim3A_276 = vector.shape_cast %reduce_sum3A_275 : vector<8xf32> to vector<1x8xf32>
    %add3A_277 = arith.constant 9.99999971E-10 : f32
    %add3A_278 = vector.broadcast %add3A_277 : f32 to vector<1x8xf32>
    %add3A_279 = arith.addf %broadcast_in_dim3A_276, %add3A_278 : vector<1x8xf32>
    %div3A_280 = arith.constant 1.280000e+02 : f32
    %div3A_281 = vector.broadcast %div3A_280 : f32 to vector<1x8xf32>
    %div3A_282 = arith.divf %div3A_281, %add3A_279 : vector<1x8xf32>
    %mul3A_283 = vector.broadcast %div3A_282 : vector<1x8xf32> to vector<1024x8xf32>
    %mul3A_284 = arith.mulf %exp3A_27, %mul3A_283 : vector<1024x8xf32>
    %reduce_sum3A_285 = arith.constant dense<0.000000e+00> : vector<1024xf32>
    %reduce_sum3A_286 = vector.multi_reduction <add>, %mul3A_284, %reduce_sum3A_285 [1] : vector<1024x8xf32> to vector<1024xf32>
    %broadcast_in_dim3A_287 = vector.shape_cast %reduce_sum3A_286 : vector<1024xf32> to vector<1024x1xf32>
    %add3A_288 = arith.constant 9.99999971E-10 : f32
    %add3A_289 = vector.broadcast %add3A_288 : f32 to vector<1024x1xf32>
    %add3A_290 = arith.addf %broadcast_in_dim3A_287, %add3A_289 : vector<1024x1xf32>
    %div3A_291 = arith.constant 1.000000e+00 : f32
    %div3A_292 = vector.broadcast %div3A_291 : f32 to vector<1024x1xf32>
    %div3A_293 = arith.divf %div3A_292, %add3A_290 : vector<1024x1xf32>
    %mul3A_294 = vector.broadcast %div3A_293 : vector<1024x1xf32> to vector<1024x8xf32>
    %mul3A_295 = arith.mulf %exp3A_27, %mul3A_294 : vector<1024x8xf32>
    %reduce_sum3A_296 = arith.constant dense<0.000000e+00> : vector<8xf32>
    %reduce_sum3A_297 = vector.multi_reduction <add>, %mul3A_295, %reduce_sum3A_296 [0] : vector<1024x8xf32> to vector<8xf32>
    %broadcast_in_dim3A_298 = vector.shape_cast %reduce_sum3A_297 : vector<8xf32> to vector<1x8xf32>
    %add3A_299 = arith.constant 9.99999971E-10 : f32
    %add3A_300 = vector.broadcast %add3A_299 : f32 to vector<1x8xf32>
    %add3A_301 = arith.addf %broadcast_in_dim3A_298, %add3A_300 : vector<1x8xf32>
    %div3A_302 = arith.constant 1.280000e+02 : f32
    %div3A_303 = vector.broadcast %div3A_302 : f32 to vector<1x8xf32>
    %div3A_304 = arith.divf %div3A_303, %add3A_301 : vector<1x8xf32>
    %mul3A_305 = vector.broadcast %div3A_304 : vector<1x8xf32> to vector<1024x8xf32>
    %mul3A_306 = arith.mulf %exp3A_27, %mul3A_305 : vector<1024x8xf32>
    %reduce_sum3A_307 = arith.constant dense<0.000000e+00> : vector<1024xf32>
    %reduce_sum3A_308 = vector.multi_reduction <add>, %mul3A_306, %reduce_sum3A_307 [1] : vector<1024x8xf32> to vector<1024xf32>
    %broadcast_in_dim3A_309 = vector.shape_cast %reduce_sum3A_308 : vector<1024xf32> to vector<1024x1xf32>
    %add3A_310 = arith.constant 9.99999971E-10 : f32
    %add3A_311 = vector.broadcast %add3A_310 : f32 to vector<1024x1xf32>
    %add3A_312 = arith.addf %broadcast_in_dim3A_309, %add3A_311 : vector<1024x1xf32>
    %div3A_313 = arith.constant 1.000000e+00 : f32
    %div3A_314 = vector.broadcast %div3A_313 : f32 to vector<1024x1xf32>
    %div3A_315 = arith.divf %div3A_314, %add3A_312 : vector<1024x1xf32>
    %mul3A_316 = vector.broadcast %div3A_315 : vector<1024x1xf32> to vector<1024x8xf32>
    %mul3A_317 = arith.mulf %exp3A_27, %mul3A_316 : vector<1024x8xf32>
    %reduce_sum3A_318 = arith.constant dense<0.000000e+00> : vector<8xf32>
    %reduce_sum3A_319 = vector.multi_reduction <add>, %mul3A_317, %reduce_sum3A_318 [0] : vector<1024x8xf32> to vector<8xf32>
    %broadcast_in_dim3A_320 = vector.shape_cast %reduce_sum3A_319 : vector<8xf32> to vector<1x8xf32>
    %add3A_321 = arith.constant 9.99999971E-10 : f32
    %add3A_322 = vector.broadcast %add3A_321 : f32 to vector<1x8xf32>
    %add3A_323 = arith.addf %broadcast_in_dim3A_320, %add3A_322 : vector<1x8xf32>
    %div3A_324 = arith.constant 1.280000e+02 : f32
    %div3A_325 = vector.broadcast %div3A_324 : f32 to vector<1x8xf32>
    %div3A_326 = arith.divf %div3A_325, %add3A_323 : vector<1x8xf32>
    %mul3A_327 = vector.broadcast %div3A_326 : vector<1x8xf32> to vector<1024x8xf32>
    %mul3A_328 = arith.mulf %exp3A_27, %mul3A_327 : vector<1024x8xf32>
    %reduce_sum3A_329 = arith.constant dense<0.000000e+00> : vector<1024xf32>
    %reduce_sum3A_330 = vector.multi_reduction <add>, %mul3A_328, %reduce_sum3A_329 [1] : vector<1024x8xf32> to vector<1024xf32>
    %broadcast_in_dim3A_331 = vector.shape_cast %reduce_sum3A_330 : vector<1024xf32> to vector<1024x1xf32>
    %add3A_332 = arith.constant 9.99999971E-10 : f32
    %add3A_333 = vector.broadcast %add3A_332 : f32 to vector<1024x1xf32>
    %add3A_334 = arith.addf %broadcast_in_dim3A_331, %add3A_333 : vector<1024x1xf32>
    %div3A_335 = arith.constant 1.000000e+00 : f32
    %div3A_336 = vector.broadcast %div3A_335 : f32 to vector<1024x1xf32>
    %div3A_337 = arith.divf %div3A_336, %add3A_334 : vector<1024x1xf32>
    %mul3A_338 = vector.broadcast %div3A_337 : vector<1024x1xf32> to vector<1024x8xf32>
    %mul3A_339 = arith.mulf %exp3A_27, %mul3A_338 : vector<1024x8xf32>
    %reduce_sum3A_340 = arith.constant dense<0.000000e+00> : vector<8xf32>
    %reduce_sum3A_341 = vector.multi_reduction <add>, %mul3A_339, %reduce_sum3A_340 [0] : vector<1024x8xf32> to vector<8xf32>
    %broadcast_in_dim3A_342 = vector.shape_cast %reduce_sum3A_341 : vector<8xf32> to vector<1x8xf32>
    %add3A_343 = arith.constant 9.99999971E-10 : f32
    %add3A_344 = vector.broadcast %add3A_343 : f32 to vector<1x8xf32>
    %add3A_345 = arith.addf %broadcast_in_dim3A_342, %add3A_344 : vector<1x8xf32>
    %div3A_346 = arith.constant 1.280000e+02 : f32
    %div3A_347 = vector.broadcast %div3A_346 : f32 to vector<1x8xf32>
    %div3A_348 = arith.divf %div3A_347, %add3A_345 : vector<1x8xf32>
    %mul3A_349 = vector.broadcast %div3A_348 : vector<1x8xf32> to vector<1024x8xf32>
    %mul3A_350 = arith.mulf %exp3A_27, %mul3A_349 : vector<1024x8xf32>
    %reduce_sum3A_351 = arith.constant dense<0.000000e+00> : vector<1024xf32>
    %reduce_sum3A_352 = vector.multi_reduction <add>, %mul3A_350, %reduce_sum3A_351 [1] : vector<1024x8xf32> to vector<1024xf32>
    %broadcast_in_dim3A_353 = vector.shape_cast %reduce_sum3A_352 : vector<1024xf32> to vector<1024x1xf32>
    %add3A_354 = arith.constant 9.99999971E-10 : f32
    %add3A_355 = vector.broadcast %add3A_354 : f32 to vector<1024x1xf32>
    %add3A_356 = arith.addf %broadcast_in_dim3A_353, %add3A_355 : vector<1024x1xf32>
    %div3A_357 = arith.constant 1.000000e+00 : f32
    %div3A_358 = vector.broadcast %div3A_357 : f32 to vector<1024x1xf32>
    %div3A_359 = arith.divf %div3A_358, %add3A_356 : vector<1024x1xf32>
    %mul3A_360 = vector.broadcast %div3A_359 : vector<1024x1xf32> to vector<1024x8xf32>
    %mul3A_361 = arith.mulf %exp3A_27, %mul3A_360 : vector<1024x8xf32>
    %reduce_sum3A_362 = arith.constant dense<0.000000e+00> : vector<8xf32>
    %reduce_sum3A_363 = vector.multi_reduction <add>, %mul3A_361, %reduce_sum3A_362 [0] : vector<1024x8xf32> to vector<8xf32>
    %broadcast_in_dim3A_364 = vector.shape_cast %reduce_sum3A_363 : vector<8xf32> to vector<1x8xf32>
    %add3A_365 = arith.constant 9.99999971E-10 : f32
    %add3A_366 = vector.broadcast %add3A_365 : f32 to vector<1x8xf32>
    %add3A_367 = arith.addf %broadcast_in_dim3A_364, %add3A_366 : vector<1x8xf32>
    %div3A_368 = arith.constant 1.280000e+02 : f32
    %div3A_369 = vector.broadcast %div3A_368 : f32 to vector<1x8xf32>
    %div3A_370 = arith.divf %div3A_369, %add3A_367 : vector<1x8xf32>
    %mul3A_371 = vector.broadcast %div3A_370 : vector<1x8xf32> to vector<1024x8xf32>
    %mul3A_372 = arith.mulf %exp3A_27, %mul3A_371 : vector<1024x8xf32>
    %reduce_sum3A_373 = arith.constant dense<0.000000e+00> : vector<1024xf32>
    %reduce_sum3A_374 = vector.multi_reduction <add>, %mul3A_372, %reduce_sum3A_373 [1] : vector<1024x8xf32> to vector<1024xf32>
    %broadcast_in_dim3A_375 = vector.shape_cast %reduce_sum3A_374 : vector<1024xf32> to vector<1024x1xf32>
    %add3A_376 = arith.constant 9.99999971E-10 : f32
    %add3A_377 = vector.broadcast %add3A_376 : f32 to vector<1024x1xf32>
    %add3A_378 = arith.addf %broadcast_in_dim3A_375, %add3A_377 : vector<1024x1xf32>
    %div3A_379 = arith.constant 1.000000e+00 : f32
    %div3A_380 = vector.broadcast %div3A_379 : f32 to vector<1024x1xf32>
    %div3A_381 = arith.divf %div3A_380, %add3A_378 : vector<1024x1xf32>
    %mul3A_382 = vector.broadcast %div3A_381 : vector<1024x1xf32> to vector<1024x8xf32>
    %mul3A_383 = arith.mulf %exp3A_27, %mul3A_382 : vector<1024x8xf32>
    %reduce_sum3A_384 = arith.constant dense<0.000000e+00> : vector<8xf32>
    %reduce_sum3A_385 = vector.multi_reduction <add>, %mul3A_383, %reduce_sum3A_384 [0] : vector<1024x8xf32> to vector<8xf32>
    %broadcast_in_dim3A_386 = vector.shape_cast %reduce_sum3A_385 : vector<8xf32> to vector<1x8xf32>
    %add3A_387 = arith.constant 9.99999971E-10 : f32
    %add3A_388 = vector.broadcast %add3A_387 : f32 to vector<1x8xf32>
    %add3A_389 = arith.addf %broadcast_in_dim3A_386, %add3A_388 : vector<1x8xf32>
    %div3A_390 = arith.constant 1.280000e+02 : f32
    %div3A_391 = vector.broadcast %div3A_390 : f32 to vector<1x8xf32>
    %div3A_392 = arith.divf %div3A_391, %add3A_389 : vector<1x8xf32>
    %mul3A_393 = vector.broadcast %div3A_392 : vector<1x8xf32> to vector<1024x8xf32>
    %mul3A_394 = arith.mulf %exp3A_27, %mul3A_393 : vector<1024x8xf32>
    %reduce_sum3A_395 = arith.constant dense<0.000000e+00> : vector<1024xf32>
    %reduce_sum3A_396 = vector.multi_reduction <add>, %mul3A_394, %reduce_sum3A_395 [1] : vector<1024x8xf32> to vector<1024xf32>
    %broadcast_in_dim3A_397 = vector.shape_cast %reduce_sum3A_396 : vector<1024xf32> to vector<1024x1xf32>
    %add3A_398 = arith.constant 9.99999971E-10 : f32
    %add3A_399 = vector.broadcast %add3A_398 : f32 to vector<1024x1xf32>
    %add3A_400 = arith.addf %broadcast_in_dim3A_397, %add3A_399 : vector<1024x1xf32>
    %div3A_401 = arith.constant 1.000000e+00 : f32
    %div3A_402 = vector.broadcast %div3A_401 : f32 to vector<1024x1xf32>
    %div3A_403 = arith.divf %div3A_402, %add3A_400 : vector<1024x1xf32>
    %mul3A_404 = vector.broadcast %div3A_403 : vector<1024x1xf32> to vector<1024x8xf32>
    %mul3A_405 = arith.mulf %exp3A_27, %mul3A_404 : vector<1024x8xf32>
    %reduce_sum3A_406 = arith.constant dense<0.000000e+00> : vector<8xf32>
    %reduce_sum3A_407 = vector.multi_reduction <add>, %mul3A_405, %reduce_sum3A_406 [0] : vector<1024x8xf32> to vector<8xf32>
    %broadcast_in_dim3A_408 = vector.shape_cast %reduce_sum3A_407 : vector<8xf32> to vector<1x8xf32>
    %add3A_409 = arith.constant 9.99999971E-10 : f32
    %add3A_410 = vector.broadcast %add3A_409 : f32 to vector<1x8xf32>
    %add3A_411 = arith.addf %broadcast_in_dim3A_408, %add3A_410 : vector<1x8xf32>
    %div3A_412 = arith.constant 1.280000e+02 : f32
    %div3A_413 = vector.broadcast %div3A_412 : f32 to vector<1x8xf32>
    %div3A_414 = arith.divf %div3A_413, %add3A_411 : vector<1x8xf32>
    %mul3A_415 = vector.broadcast %div3A_414 : vector<1x8xf32> to vector<1024x8xf32>
    %mul3A_416 = arith.mulf %exp3A_27, %mul3A_415 : vector<1024x8xf32>
    %reduce_sum3A_417 = arith.constant dense<0.000000e+00> : vector<1024xf32>
    %reduce_sum3A_418 = vector.multi_reduction <add>, %mul3A_416, %reduce_sum3A_417 [1] : vector<1024x8xf32> to vector<1024xf32>
    %broadcast_in_dim3A_419 = vector.shape_cast %reduce_sum3A_418 : vector<1024xf32> to vector<1024x1xf32>
    %add3A_420 = arith.constant 9.99999971E-10 : f32
    %add3A_421 = vector.broadcast %add3A_420 : f32 to vector<1024x1xf32>
    %add3A_422 = arith.addf %broadcast_in_dim3A_419, %add3A_421 : vector<1024x1xf32>
    %div3A_423 = arith.constant 1.000000e+00 : f32
    %div3A_424 = vector.broadcast %div3A_423 : f32 to vector<1024x1xf32>
    %div3A_425 = arith.divf %div3A_424, %add3A_422 : vector<1024x1xf32>
    %mul3A_426 = vector.broadcast %div3A_425 : vector<1024x1xf32> to vector<1024x8xf32>
    %mul3A_427 = arith.mulf %exp3A_27, %mul3A_426 : vector<1024x8xf32>
    %reduce_sum3A_428 = arith.constant dense<0.000000e+00> : vector<8xf32>
    %reduce_sum3A_429 = vector.multi_reduction <add>, %mul3A_427, %reduce_sum3A_428 [0] : vector<1024x8xf32> to vector<8xf32>
    %broadcast_in_dim3A_430 = vector.shape_cast %reduce_sum3A_429 : vector<8xf32> to vector<1x8xf32>
    %add3A_431 = arith.constant 9.99999971E-10 : f32
    %add3A_432 = vector.broadcast %add3A_431 : f32 to vector<1x8xf32>
    %add3A_433 = arith.addf %broadcast_in_dim3A_430, %add3A_432 : vector<1x8xf32>
    %div3A_434 = arith.constant 1.280000e+02 : f32
    %div3A_435 = vector.broadcast %div3A_434 : f32 to vector<1x8xf32>
    %div3A_436 = arith.divf %div3A_435, %add3A_433 : vector<1x8xf32>
    %mul3A_437 = vector.broadcast %div3A_436 : vector<1x8xf32> to vector<1024x8xf32>
    %mul3A_438 = arith.mulf %exp3A_27, %mul3A_437 : vector<1024x8xf32>
    %reduce_sum3A_439 = arith.constant dense<0.000000e+00> : vector<1024xf32>
    %reduce_sum3A_440 = vector.multi_reduction <add>, %mul3A_438, %reduce_sum3A_439 [1] : vector<1024x8xf32> to vector<1024xf32>
    %broadcast_in_dim3A_441 = vector.shape_cast %reduce_sum3A_440 : vector<1024xf32> to vector<1024x1xf32>
    %add3A_442 = arith.constant 9.99999971E-10 : f32
    %add3A_443 = vector.broadcast %add3A_442 : f32 to vector<1024x1xf32>
    %add3A_444 = arith.addf %broadcast_in_dim3A_441, %add3A_443 : vector<1024x1xf32>
    %div3A_445 = arith.constant 1.000000e+00 : f32
    %div3A_446 = vector.broadcast %div3A_445 : f32 to vector<1024x1xf32>
    %div3A_447 = arith.divf %div3A_446, %add3A_444 : vector<1024x1xf32>
    %mul3A_448 = vector.broadcast %div3A_447 : vector<1024x1xf32> to vector<1024x8xf32>
    %mul3A_449 = arith.mulf %exp3A_27, %mul3A_448 : vector<1024x8xf32>
    %reduce_sum3A_450 = arith.constant dense<0.000000e+00> : vector<8xf32>
    %reduce_sum3A_451 = vector.multi_reduction <add>, %mul3A_449, %reduce_sum3A_450 [0] : vector<1024x8xf32> to vector<8xf32>
    %broadcast_in_dim3A_452 = vector.shape_cast %reduce_sum3A_451 : vector<8xf32> to vector<1x8xf32>
    %add3A_453 = arith.constant 9.99999971E-10 : f32
    %add3A_454 = vector.broadcast %add3A_453 : f32 to vector<1x8xf32>
    %add3A_455 = arith.addf %broadcast_in_dim3A_452, %add3A_454 : vector<1x8xf32>
    %div3A_456 = arith.constant 1.280000e+02 : f32
    %div3A_457 = vector.broadcast %div3A_456 : f32 to vector<1x8xf32>
    %div3A_458 = arith.divf %div3A_457, %add3A_455 : vector<1x8xf32>
    %mul3A_459 = vector.broadcast %div3A_458 : vector<1x8xf32> to vector<1024x8xf32>
    %mul3A_460 = arith.mulf %exp3A_27, %mul3A_459 : vector<1024x8xf32>
    %reduce_sum3A_461 = arith.constant dense<0.000000e+00> : vector<1024xf32>
    %reduce_sum3A_462 = vector.multi_reduction <add>, %mul3A_460, %reduce_sum3A_461 [1] : vector<1024x8xf32> to vector<1024xf32>
    %broadcast_in_dim3A_463 = vector.shape_cast %reduce_sum3A_462 : vector<1024xf32> to vector<1024x1xf32>
    %add3A_464 = arith.constant 9.99999971E-10 : f32
    %add3A_465 = vector.broadcast %add3A_464 : f32 to vector<1024x1xf32>
    %add3A_466 = arith.addf %broadcast_in_dim3A_463, %add3A_465 : vector<1024x1xf32>
    %div3A_467 = arith.constant 1.000000e+00 : f32
    %div3A_468 = vector.broadcast %div3A_467 : f32 to vector<1024x1xf32>
    %div3A_469 = arith.divf %div3A_468, %add3A_466 : vector<1024x1xf32>
    %mul3A_470 = vector.broadcast %div3A_469 : vector<1024x1xf32> to vector<1024x8xf32>
    %mul3A_471 = arith.mulf %exp3A_27, %mul3A_470 : vector<1024x8xf32>
    %reduce_sum3A_472 = arith.constant dense<0.000000e+00> : vector<8xf32>
    %reduce_sum3A_473 = vector.multi_reduction <add>, %mul3A_471, %reduce_sum3A_472 [0] : vector<1024x8xf32> to vector<8xf32>
    %broadcast_in_dim3A_474 = vector.shape_cast %reduce_sum3A_473 : vector<8xf32> to vector<1x8xf32>
    %add3A_475 = arith.constant 9.99999971E-10 : f32
    %add3A_476 = vector.broadcast %add3A_475 : f32 to vector<1x8xf32>
    %add3A_477 = arith.addf %broadcast_in_dim3A_474, %add3A_476 : vector<1x8xf32>
    %div3A_478 = arith.constant 1.280000e+02 : f32
    %div3A_479 = vector.broadcast %div3A_478 : f32 to vector<1x8xf32>
    %div3A_480 = arith.divf %div3A_479, %add3A_477 : vector<1x8xf32>
    %mul3A_481 = vector.broadcast %div3A_480 : vector<1x8xf32> to vector<1024x8xf32>
    %mul3A_482 = arith.mulf %exp3A_27, %mul3A_481 : vector<1024x8xf32>
    %reduce_sum3A_483 = arith.constant dense<0.000000e+00> : vector<1024xf32>
    %reduce_sum3A_484 = vector.multi_reduction <add>, %mul3A_482, %reduce_sum3A_483 [1] : vector<1024x8xf32> to vector<1024xf32>
    %broadcast_in_dim3A_485 = vector.shape_cast %reduce_sum3A_484 : vector<1024xf32> to vector<1024x1xf32>
    %add3A_486 = arith.constant 9.99999971E-10 : f32
    %add3A_487 = vector.broadcast %add3A_486 : f32 to vector<1024x1xf32>
    %add3A_488 = arith.addf %broadcast_in_dim3A_485, %add3A_487 : vector<1024x1xf32>
    %div3A_489 = arith.constant 1.000000e+00 : f32
    %div3A_490 = vector.broadcast %div3A_489 : f32 to vector<1024x1xf32>
    %div3A_491 = arith.divf %div3A_490, %add3A_488 : vector<1024x1xf32>
    %mul3A_492 = vector.broadcast %div3A_491 : vector<1024x1xf32> to vector<1024x8xf32>
    %mul3A_493 = arith.mulf %exp3A_27, %mul3A_492 : vector<1024x8xf32>
    %reduce_sum3A_494 = arith.constant dense<0.000000e+00> : vector<8xf32>
    %reduce_sum3A_495 = vector.multi_reduction <add>, %mul3A_493, %reduce_sum3A_494 [0] : vector<1024x8xf32> to vector<8xf32>
    %broadcast_in_dim3A_496 = vector.shape_cast %reduce_sum3A_495 : vector<8xf32> to vector<1x8xf32>
    %add3A_497 = arith.constant 9.99999971E-10 : f32
    %add3A_498 = vector.broadcast %add3A_497 : f32 to vector<1x8xf32>
    %add3A_499 = arith.addf %broadcast_in_dim3A_496, %add3A_498 : vector<1x8xf32>
    %div3A_500 = arith.constant 1.280000e+02 : f32
    %div3A_501 = vector.broadcast %div3A_500 : f32 to vector<1x8xf32>
    %div3A_502 = arith.divf %div3A_501, %add3A_499 : vector<1x8xf32>
    %mul3A_503 = vector.broadcast %div3A_502 : vector<1x8xf32> to vector<1024x8xf32>
    %mul3A_504 = arith.mulf %exp3A_27, %mul3A_503 : vector<1024x8xf32>
    %reduce_sum3A_505 = arith.constant dense<0.000000e+00> : vector<1024xf32>
    %reduce_sum3A_506 = vector.multi_reduction <add>, %mul3A_504, %reduce_sum3A_505 [1] : vector<1024x8xf32> to vector<1024xf32>
    %broadcast_in_dim3A_507 = vector.shape_cast %reduce_sum3A_506 : vector<1024xf32> to vector<1024x1xf32>
    %add3A_508 = arith.constant 9.99999971E-10 : f32
    %add3A_509 = vector.broadcast %add3A_508 : f32 to vector<1024x1xf32>
    %add3A_510 = arith.addf %broadcast_in_dim3A_507, %add3A_509 : vector<1024x1xf32>
    %div3A_511 = arith.constant 1.000000e+00 : f32
    %div3A_512 = vector.broadcast %div3A_511 : f32 to vector<1024x1xf32>
    %div3A_513 = arith.divf %div3A_512, %add3A_510 : vector<1024x1xf32>
    %mul3A_514 = vector.broadcast %div3A_513 : vector<1024x1xf32> to vector<1024x8xf32>
    %mul3A_515 = arith.mulf %exp3A_27, %mul3A_514 : vector<1024x8xf32>
    %reduce_sum3A_516 = arith.constant dense<0.000000e+00> : vector<8xf32>
    %reduce_sum3A_517 = vector.multi_reduction <add>, %mul3A_515, %reduce_sum3A_516 [0] : vector<1024x8xf32> to vector<8xf32>
    %broadcast_in_dim3A_518 = vector.shape_cast %reduce_sum3A_517 : vector<8xf32> to vector<1x8xf32>
    %add3A_519 = arith.constant 9.99999971E-10 : f32
    %add3A_520 = vector.broadcast %add3A_519 : f32 to vector<1x8xf32>
    %add3A_521 = arith.addf %broadcast_in_dim3A_518, %add3A_520 : vector<1x8xf32>
    %div3A_522 = arith.constant 1.280000e+02 : f32
    %div3A_523 = vector.broadcast %div3A_522 : f32 to vector<1x8xf32>
    %div3A_524 = arith.divf %div3A_523, %add3A_521 : vector<1x8xf32>
    %mul3A_525 = vector.broadcast %div3A_524 : vector<1x8xf32> to vector<1024x8xf32>
    %mul3A_526 = arith.mulf %exp3A_27, %mul3A_525 : vector<1024x8xf32>
    %reduce_sum3A_527 = arith.constant dense<0.000000e+00> : vector<1024xf32>
    %reduce_sum3A_528 = vector.multi_reduction <add>, %mul3A_526, %reduce_sum3A_527 [1] : vector<1024x8xf32> to vector<1024xf32>
    %broadcast_in_dim3A_529 = vector.shape_cast %reduce_sum3A_528 : vector<1024xf32> to vector<1024x1xf32>
    %add3A_530 = arith.constant 9.99999971E-10 : f32
    %add3A_531 = vector.broadcast %add3A_530 : f32 to vector<1024x1xf32>
    %add3A_532 = arith.addf %broadcast_in_dim3A_529, %add3A_531 : vector<1024x1xf32>
    %div3A_533 = arith.constant 1.000000e+00 : f32
    %div3A_534 = vector.broadcast %div3A_533 : f32 to vector<1024x1xf32>
    %div3A_535 = arith.divf %div3A_534, %add3A_532 : vector<1024x1xf32>
    %mul3A_536 = vector.broadcast %div3A_535 : vector<1024x1xf32> to vector<1024x8xf32>
    %mul3A_537 = arith.mulf %exp3A_27, %mul3A_536 : vector<1024x8xf32>
    %reduce_sum3A_538 = arith.constant dense<0.000000e+00> : vector<8xf32>
    %reduce_sum3A_539 = vector.multi_reduction <add>, %mul3A_537, %reduce_sum3A_538 [0] : vector<1024x8xf32> to vector<8xf32>
    %broadcast_in_dim3A_540 = vector.shape_cast %reduce_sum3A_539 : vector<8xf32> to vector<1x8xf32>
    %add3A_541 = arith.constant 9.99999971E-10 : f32
    %add3A_542 = vector.broadcast %add3A_541 : f32 to vector<1x8xf32>
    %add3A_543 = arith.addf %broadcast_in_dim3A_540, %add3A_542 : vector<1x8xf32>
    %div3A_544 = arith.constant 1.280000e+02 : f32
    %div3A_545 = vector.broadcast %div3A_544 : f32 to vector<1x8xf32>
    %div3A_546 = arith.divf %div3A_545, %add3A_543 : vector<1x8xf32>
    %mul3A_547 = vector.broadcast %div3A_546 : vector<1x8xf32> to vector<1024x8xf32>
    %mul3A_548 = arith.mulf %exp3A_27, %mul3A_547 : vector<1024x8xf32>
    %reduce_sum3A_549 = arith.constant dense<0.000000e+00> : vector<1024xf32>
    %reduce_sum3A_550 = vector.multi_reduction <add>, %mul3A_548, %reduce_sum3A_549 [1] : vector<1024x8xf32> to vector<1024xf32>
    %broadcast_in_dim3A_551 = vector.shape_cast %reduce_sum3A_550 : vector<1024xf32> to vector<1024x1xf32>
    %add3A_552 = arith.constant 9.99999971E-10 : f32
    %add3A_553 = vector.broadcast %add3A_552 : f32 to vector<1024x1xf32>
    %add3A_554 = arith.addf %broadcast_in_dim3A_551, %add3A_553 : vector<1024x1xf32>
    %div3A_555 = arith.constant 1.000000e+00 : f32
    %div3A_556 = vector.broadcast %div3A_555 : f32 to vector<1024x1xf32>
    %div3A_557 = arith.divf %div3A_556, %add3A_554 : vector<1024x1xf32>
    %mul3A_558 = vector.broadcast %div3A_557 : vector<1024x1xf32> to vector<1024x8xf32>
    %mul3A_559 = arith.mulf %exp3A_27, %mul3A_558 : vector<1024x8xf32>
    %reduce_sum3A_560 = arith.constant dense<0.000000e+00> : vector<8xf32>
    %reduce_sum3A_561 = vector.multi_reduction <add>, %mul3A_559, %reduce_sum3A_560 [0] : vector<1024x8xf32> to vector<8xf32>
    %broadcast_in_dim3A_562 = vector.shape_cast %reduce_sum3A_561 : vector<8xf32> to vector<1x8xf32>
    %add3A_563 = arith.constant 9.99999971E-10 : f32
    %add3A_564 = vector.broadcast %add3A_563 : f32 to vector<1x8xf32>
    %add3A_565 = arith.addf %broadcast_in_dim3A_562, %add3A_564 : vector<1x8xf32>
    %div3A_566 = arith.constant 1.280000e+02 : f32
    %div3A_567 = vector.broadcast %div3A_566 : f32 to vector<1x8xf32>
    %div3A_568 = arith.divf %div3A_567, %add3A_565 : vector<1x8xf32>
    %mul3A_569 = vector.broadcast %div3A_568 : vector<1x8xf32> to vector<1024x8xf32>
    %mul3A_570 = arith.mulf %exp3A_27, %mul3A_569 : vector<1024x8xf32>
    %reduce_sum3A_571 = arith.constant dense<0.000000e+00> : vector<1024xf32>
    %reduce_sum3A_572 = vector.multi_reduction <add>, %mul3A_570, %reduce_sum3A_571 [1] : vector<1024x8xf32> to vector<1024xf32>
    %broadcast_in_dim3A_573 = vector.shape_cast %reduce_sum3A_572 : vector<1024xf32> to vector<1024x1xf32>
    %add3A_574 = arith.constant 9.99999971E-10 : f32
    %add3A_575 = vector.broadcast %add3A_574 : f32 to vector<1024x1xf32>
    %add3A_576 = arith.addf %broadcast_in_dim3A_573, %add3A_575 : vector<1024x1xf32>
    %div3A_577 = arith.constant 1.000000e+00 : f32
    %div3A_578 = vector.broadcast %div3A_577 : f32 to vector<1024x1xf32>
    %div3A_579 = arith.divf %div3A_578, %add3A_576 : vector<1024x1xf32>
    %mul3A_580 = vector.broadcast %div3A_568 : vector<1x8xf32> to vector<1024x8xf32>
    %mul3A_581 = arith.mulf %mul3A_580, %exp3A_27 : vector<1024x8xf32>
    %mul3A_582 = vector.broadcast %div3A_579 : vector<1024x1xf32> to vector<1024x8xf32>
    %mul3A_583 = arith.mulf %mul3A_581, %mul3A_582 : vector<1024x8xf32>
    %reduce_max3A_584 = arith.constant dense<0xFF800000> : vector<1024xf32>
    %reduce_max3A_585 = vector.multi_reduction <maximumf>, %mul3A_583, %reduce_max3A_584 [1] : vector<1024x8xf32> to vector<1024xf32>
    %broadcast_in_dim3A_586 = vector.shape_cast %reduce_max3A_585 : vector<1024xf32> to vector<1024x1xf32>
    %ge3A = vector.broadcast %broadcast_in_dim3A_586 : vector<1024x1xf32> to vector<1024x8xf32>
    %ge3A_587 = arith.cmpf oge, %mul3A_583, %ge3A : vector<1024x8xf32>
    %iota3A = tpu.iota {dimensions = array<i32: 1>} : vector<1024x8xi32>
    %jit3A = arith.constant 8 : i32
    %broadcast_in_dim3A_588 = vector.broadcast %jit3A : i32 to vector<1024x8xi32>
    %select_n3A = arith.select %ge3A_587, %iota3A, %broadcast_in_dim3A_588 : vector<1024x8xi1>, vector<1024x8xi32>
    %reduce_min3A = arith.constant dense<2147483647> : vector<1024xi32>
    %reduce_min3A_589 = vector.multi_reduction <minsi>, %select_n3A, %reduce_min3A [1] : vector<1024x8xi32> to vector<1024xi32>
    %broadcast_in_dim3A_590 = vector.shape_cast %reduce_min3A_589 : vector<1024xi32> to vector<1024x1xi32>
    %eq3A = vector.broadcast %broadcast_in_dim3A_590 : vector<1024x1xi32> to vector<1024x8xi32>
    %eq3A_591 = arith.cmpi eq, %iota3A, %eq3A : vector<1024x8xi32>
    %convert_element_type3A = arith.extui %eq3A_591 : vector<1024x8xi1> to vector<1024x8xi32>
    %convert_element_type3A_592 = arith.sitofp %convert_element_type3A : vector<1024x8xi32> to vector<1024x8xf32>
    %mul3A_593 = arith.mulf %div3A_16, %convert_element_type3A_592 : vector<1024x8xf32>
    %reduce_sum3A_594 = arith.constant dense<0.000000e+00> : vector<1024xf32>
    %reduce_sum3A_595 = vector.multi_reduction <add>, %mul3A_593, %reduce_sum3A_594 [1] : vector<1024x8xf32> to vector<1024xf32>
    %broadcast_in_dim3A_596 = vector.shape_cast %reduce_sum3A_595 : vector<1024xf32> to vector<1024x1xf32>
    %reduce_sum3A_597 = arith.constant dense<0.000000e+00> : vector<8xf32>
    %reduce_sum3A_598 = vector.multi_reduction <add>, %convert_element_type3A_592, %reduce_sum3A_597 [0] : vector<1024x8xf32> to vector<8xf32>
    %broadcast_in_dim3A_599 = vector.shape_cast %reduce_sum3A_598 : vector<8xf32> to vector<1x8xf32>
    %reduce_sum3A_600 = arith.constant dense<0.000000e+00> : vector<8xf32>
    %reduce_sum3A_601 = vector.multi_reduction <add>, %div3A_16, %reduce_sum3A_600 [0] : vector<1024x8xf32> to vector<8xf32>
    %broadcast_in_dim3A_602 = vector.shape_cast %reduce_sum3A_601 : vector<8xf32> to vector<1x8xf32>
    %div3A_603 = arith.constant 1.024000e+03 : f32
    %div3A_604 = vector.broadcast %div3A_603 : f32 to vector<1x8xf32>
    %div3A_605 = arith.divf %broadcast_in_dim3A_602, %div3A_604 : vector<1x8xf32>
    %div3A_606 = arith.constant 1.024000e+03 : f32
    %div3A_607 = vector.broadcast %div3A_606 : f32 to vector<1x8xf32>
    %div3A_608 = arith.divf %broadcast_in_dim3A_599, %div3A_607 : vector<1x8xf32>
    %mul3A_609 = arith.mulf %div3A_605, %div3A_608 : vector<1x8xf32>
    %reduce_sum3A_610 = vector.shape_cast %mul3A_609 : vector<1x8xf32> to vector<1x1x8xf32>
    %reduce_sum3A_611 = arith.constant dense<0.000000e+00> : vector<1xf32>
    %reduce_sum3A_612 = vector.multi_reduction <add>, %reduce_sum3A_610, %reduce_sum3A_611 [1, 2] : vector<1x1x8xf32> to vector<1xf32>
    %reduce_sum3A_613 = vector.shape_cast %reduce_sum3A_612 : vector<1xf32> to vector<1x1x1xf32>
    %reduce_sum3A_614 = vector.extract %reduce_sum3A_613[0, 0, 0] : f32 from vector<1x1x1xf32>
    %broadcast_in_dim3A_615 = vector.broadcast %reduce_sum3A_614 : f32 to vector<1x1xf32>
    %div3A_616 = arith.constant 8.000000e+00 : f32
    %div3A_617 = vector.broadcast %div3A_616 : f32 to vector<1x1xf32>
    %div3A_618 = arith.divf %broadcast_in_dim3A_615, %div3A_617 : vector<1x1xf32>
    %mul3A_619 = arith.constant 6.400000e+01 : f32
    %mul3A_620 = vector.broadcast %mul3A_619 : f32 to vector<1x1xf32>
    %mul3A_621 = arith.mulf %div3A_618, %mul3A_620 : vector<1x1xf32>
    %swap3A = arith.constant 0 : index
    %swap3A_622 = arith.constant 0 : index
    %swap3A_623 = vector.load %arg8[%swap3A, %swap3A_622] : memref<1x1xf32, #tpu.memory_space<vmem>>, vector<1x1xf32>
    tpu.vector_store %arg8[%swap3A, %swap3A_622], %mul3A_621 {strides = array<i32>} : memref<1x1xf32, #tpu.memory_space<vmem>>, vector<1x1xf32>,
    %div3A_624 = arith.constant 3.200000e+01 : f32
    %div3A_625 = vector.broadcast %div3A_624 : f32 to vector<1x8xf32>
    %div3A_626 = arith.divf %broadcast_in_dim3A_599, %div3A_625 : vector<1x8xf32>
    %ceil3A = math.ceil %div3A_626 : vector<1x8xf32>
    %mul3A_627 = arith.constant 3.200000e+01 : f32
    %mul3A_628 = vector.broadcast %mul3A_627 : f32 to vector<1x8xf32>
    %mul3A_629 = arith.mulf %ceil3A, %mul3A_628 : vector<1x8xf32>
    %iota3A_630 = tpu.iota {dimensions = array<i32: 0>} : vector<8x8xi32>
    %iota3A_631 = tpu.iota {dimensions = array<i32: 1>} : vector<8x8xi32>
    %lt3A = arith.cmpi slt, %iota3A_630, %iota3A_631 : vector<8x8xi32>
    %convert_element_type3A_632 = arith.extui %lt3A : vector<8x8xi1> to vector<8x8xi32>
    %convert_element_type3A_633 = arith.sitofp %convert_element_type3A_632 : vector<8x8xi32> to vector<8x8xf32>
    %dot_general3A_634 = arith.constant dense<0.000000e+00> : vector<1x8xf32>
    %dot_general3A_635 = tpu.matmul %mul3A_629, %convert_element_type3A_633, %dot_general3A_634 {dimension_numbers = #tpu.dot_dimension_numbers<[1], [0], [0], [1], [0, 0, 1, 1], [], []>, precision = #tpu.contract_precision<fp32>, transpose_lhs_hint = false} : vector<1x8xf32>, vector<8x8xf32>, vector<1x8xf32> -> vector<1x8xf32>
    %broadcast_in_dim3A_636 = arith.constant 0.000000e+00 : f32
    %broadcast_in_dim3A_637 = vector.broadcast %broadcast_in_dim3A_636 : f32 to vector<1x8xf32>
    %slice3A = vector.extract_strided_slice %convert_element_type3A_592 {offsets = [0, 0], sizes = [1023, 8], strides = [1, 1]} : vector<1024x8xf32> to vector<1023x8xf32>
    %concatenate3A = tpu.concatenate %broadcast_in_dim3A_637, %slice3A in 0 : vector<1x8xf32>, vector<1023x8xf32> -> vector<1024x8xf32>
    %broadcast_in_dim3A_638 = arith.constant 0.000000e+00 : f32
    %broadcast_in_dim3A_639 = vector.broadcast %broadcast_in_dim3A_638 : f32 to vector<1x8xf32>
    %slice3A_640 = vector.extract_strided_slice %concatenate3A {offsets = [0, 0], sizes = [1023, 8], strides = [1, 1]} : vector<1024x8xf32> to vector<1023x8xf32>
    %concatenate3A_641 = tpu.concatenate %broadcast_in_dim3A_639, %slice3A_640 in 0 : vector<1x8xf32>, vector<1023x8xf32> -> vector<1024x8xf32>
    %add3A_642 = arith.addf %concatenate3A, %concatenate3A_641 : vector<1024x8xf32>
    %broadcast_in_dim3A_643 = arith.constant 0.000000e+00 : f32
    %broadcast_in_dim3A_644 = vector.broadcast %broadcast_in_dim3A_643 : f32 to vector<2x8xf32>
    %slice3A_645 = vector.extract_strided_slice %add3A_642 {offsets = [0, 0], sizes = [1022, 8], strides = [1, 1]} : vector<1024x8xf32> to vector<1022x8xf32>
    %concatenate3A_646 = tpu.concatenate %broadcast_in_dim3A_644, %slice3A_645 in 0 : vector<2x8xf32>, vector<1022x8xf32> -> vector<1024x8xf32>
    %add3A_647 = arith.addf %add3A_642, %concatenate3A_646 : vector<1024x8xf32>
    %broadcast_in_dim3A_648 = arith.constant 0.000000e+00 : f32
    %broadcast_in_dim3A_649 = vector.broadcast %broadcast_in_dim3A_648 : f32 to vector<4x8xf32>
    %slice3A_650 = vector.extract_strided_slice %add3A_647 {offsets = [0, 0], sizes = [1020, 8], strides = [1, 1]} : vector<1024x8xf32> to vector<1020x8xf32>
    %concatenate3A_651 = tpu.concatenate %broadcast_in_dim3A_649, %slice3A_650 in 0 : vector<4x8xf32>, vector<1020x8xf32> -> vector<1024x8xf32>
    %add3A_652 = arith.addf %add3A_647, %concatenate3A_651 : vector<1024x8xf32>
    %broadcast_in_dim3A_653 = arith.constant 0.000000e+00 : f32
    %broadcast_in_dim3A_654 = vector.broadcast %broadcast_in_dim3A_653 : f32 to vector<8x8xf32>
    %slice3A_655 = vector.extract_strided_slice %add3A_652 {offsets = [0, 0], sizes = [1016, 8], strides = [1, 1]} : vector<1024x8xf32> to vector<1016x8xf32>
    %concatenate3A_656 = tpu.concatenate %broadcast_in_dim3A_654, %slice3A_655 in 0 : vector<8x8xf32>, vector<1016x8xf32> -> vector<1024x8xf32>
    %add3A_657 = arith.addf %add3A_652, %concatenate3A_656 : vector<1024x8xf32>
    %broadcast_in_dim3A_658 = arith.constant 0.000000e+00 : f32
    %broadcast_in_dim3A_659 = vector.broadcast %broadcast_in_dim3A_658 : f32 to vector<16x8xf32>
    %slice3A_660 = vector.extract_strided_slice %add3A_657 {offsets = [0, 0], sizes = [1008, 8], strides = [1, 1]} : vector<1024x8xf32> to vector<1008x8xf32>
    %concatenate3A_661 = tpu.concatenate %broadcast_in_dim3A_659, %slice3A_660 in 0 : vector<16x8xf32>, vector<1008x8xf32> -> vector<1024x8xf32>
    %add3A_662 = arith.addf %add3A_657, %concatenate3A_661 : vector<1024x8xf32>
    %broadcast_in_dim3A_663 = arith.constant 0.000000e+00 : f32
    %broadcast_in_dim3A_664 = vector.broadcast %broadcast_in_dim3A_663 : f32 to vector<32x8xf32>
    %slice3A_665 = vector.extract_strided_slice %add3A_662 {offsets = [0, 0], sizes = [992, 8], strides = [1, 1]} : vector<1024x8xf32> to vector<992x8xf32>
    %concatenate3A_666 = tpu.concatenate %broadcast_in_dim3A_664, %slice3A_665 in 0 : vector<32x8xf32>, vector<992x8xf32> -> vector<1024x8xf32>
    %add3A_667 = arith.addf %add3A_662, %concatenate3A_666 : vector<1024x8xf32>
    %broadcast_in_dim3A_668 = arith.constant 0.000000e+00 : f32
    %broadcast_in_dim3A_669 = vector.broadcast %broadcast_in_dim3A_668 : f32 to vector<64x8xf32>
    %slice3A_670 = vector.extract_strided_slice %add3A_667 {offsets = [0, 0], sizes = [960, 8], strides = [1, 1]} : vector<1024x8xf32> to vector<960x8xf32>
    %concatenate3A_671 = tpu.concatenate %broadcast_in_dim3A_669, %slice3A_670 in 0 : vector<64x8xf32>, vector<960x8xf32> -> vector<1024x8xf32>
    %add3A_672 = arith.addf %add3A_667, %concatenate3A_671 : vector<1024x8xf32>
    %broadcast_in_dim3A_673 = arith.constant 0.000000e+00 : f32
    %broadcast_in_dim3A_674 = vector.broadcast %broadcast_in_dim3A_673 : f32 to vector<128x8xf32>
    %slice3A_675 = vector.extract_strided_slice %add3A_672 {offsets = [0, 0], sizes = [896, 8], strides = [1, 1]} : vector<1024x8xf32> to vector<896x8xf32>
    %concatenate3A_676 = tpu.concatenate %broadcast_in_dim3A_674, %slice3A_675 in 0 : vector<128x8xf32>, vector<896x8xf32> -> vector<1024x8xf32>
    %add3A_677 = arith.addf %add3A_672, %concatenate3A_676 : vector<1024x8xf32>
    %broadcast_in_dim3A_678 = arith.constant 0.000000e+00 : f32
    %broadcast_in_dim3A_679 = vector.broadcast %broadcast_in_dim3A_678 : f32 to vector<256x8xf32>
    %slice3A_680 = vector.extract_strided_slice %add3A_677 {offsets = [0, 0], sizes = [768, 8], strides = [1, 1]} : vector<1024x8xf32> to vector<768x8xf32>
    %concatenate3A_681 = tpu.concatenate %broadcast_in_dim3A_679, %slice3A_680 in 0 : vector<256x8xf32>, vector<768x8xf32> -> vector<1024x8xf32>
    %add3A_682 = arith.addf %add3A_677, %concatenate3A_681 : vector<1024x8xf32>
    %broadcast_in_dim3A_683 = arith.constant 0.000000e+00 : f32
    %broadcast_in_dim3A_684 = vector.broadcast %broadcast_in_dim3A_683 : f32 to vector<512x8xf32>
    %slice3A_685 = vector.extract_strided_slice %add3A_682 {offsets = [0, 0], sizes = [512, 8], strides = [1, 1]} : vector<1024x8xf32> to vector<512x8xf32>
    %concatenate3A_686 = tpu.concatenate %broadcast_in_dim3A_684, %slice3A_685 in 0 : vector<512x8xf32>, vector<512x8xf32> -> vector<1024x8xf32>
    %add3A_687 = arith.addf %add3A_682, %concatenate3A_686 : vector<1024x8xf32>
    %mul3A_688 = arith.mulf %add3A_687, %convert_element_type3A_592 : vector<1024x8xf32>
    %reduce_sum3A_689 = arith.constant dense<0.000000e+00> : vector<1024xf32>
    %reduce_sum3A_690 = vector.multi_reduction <add>, %mul3A_688, %reduce_sum3A_689 [1] : vector<1024x8xf32> to vector<1024xf32>
    %broadcast_in_dim3A_691 = vector.shape_cast %reduce_sum3A_690 : vector<1024xf32> to vector<1024x1xf32>
    %mul3A_692 = vector.broadcast %dot_general3A_635 : vector<1x8xf32> to vector<1024x8xf32>
    %mul3A_693 = arith.mulf %mul3A_692, %convert_element_type3A_592 : vector<1024x8xf32>
    %reduce_sum3A_694 = arith.constant dense<0.000000e+00> : vector<1024xf32>
    %reduce_sum3A_695 = vector.multi_reduction <add>, %mul3A_693, %reduce_sum3A_694 [1] : vector<1024x8xf32> to vector<1024xf32>
    %broadcast_in_dim3A_696 = vector.shape_cast %reduce_sum3A_695 : vector<1024xf32> to vector<1024x1xf32>
    %add3A_697 = arith.addf %broadcast_in_dim3A_696, %broadcast_in_dim3A_691 : vector<1024x1xf32>
    %convert_element_type3A_698 = arith.fptosi %add3A_697 : vector<1024x1xf32> to vector<1024x1xi32>
    %swap3A_699 = arith.constant 0 : index
    %swap3A_700 = arith.constant 0 : index
    %swap3A_701 = vector.load %arg4[%swap3A_699, %swap3A_700] : memref<1024x1xi32, #tpu.memory_space<vmem>>, vector<1024x1xi32>
    tpu.vector_store %arg4[%swap3A_699, %swap3A_700], %convert_element_type3A_698 {strides = array<i32>} : memref<1024x1xi32, #tpu.memory_space<vmem>>, vector<1024x1xi32>,
    %transpose3A = tpu.transpose %convert_element_type3A_698, [1, 0] : vector<1024x1xi32> -> vector<1x1024xi32>
    %iota3A_702 = tpu.iota {dimensions = array<i32: 0>} : vector<1280x1024xi32>
    %eq3A_703 = vector.broadcast %transpose3A : vector<1x1024xi32> to vector<1280x1024xi32>
    %eq3A_704 = arith.cmpi eq, %iota3A_702, %eq3A_703 : vector<1280x1024xi32>
    %iota3A_705 = tpu.iota {dimensions = array<i32: 1>} : vector<1280x1024xi32>
    %jit3A_706 = arith.constant 0 : i32
    %broadcast_in_dim3A_707 = vector.broadcast %jit3A_706 : i32 to vector<1280x1024xi32>
    %select_n3A_708 = arith.select %eq3A_704, %iota3A_705, %broadcast_in_dim3A_707 : vector<1280x1024xi1>, vector<1280x1024xi32>
    %reduce_sum3A_709 = arith.constant dense<0> : vector<1280xi32>
    %reduce_sum3A_710 = vector.multi_reduction <add>, %select_n3A_708, %reduce_sum3A_709 [1] : vector<1280x1024xi32> to vector<1280xi32>
    %broadcast_in_dim3A_711 = vector.shape_cast %reduce_sum3A_710 : vector<1280xi32> to vector<1280x1xi32>
    %swap3A_712 = arith.constant 0 : index
    %swap3A_713 = arith.constant 0 : index
    %swap3A_714 = vector.load %arg5[%swap3A_712, %swap3A_713] : memref<1280x1xi32, #tpu.memory_space<vmem>>, vector<1280x1xi32>
    tpu.vector_store %arg5[%swap3A_712, %swap3A_713], %broadcast_in_dim3A_711 {strides = array<i32>} : memref<1280x1xi32, #tpu.memory_space<vmem>>, vector<1280x1xi32>,
    %transpose3A_715 = tpu.transpose %broadcast_in_dim3A_596, [1, 0] : vector<1024x1xf32> -> vector<1x1024xf32>
    %jit3A_716 = arith.constant 0.000000e+00 : f32
    %broadcast_in_dim3A_717 = vector.shape_cast %transpose3A_715 : vector<1x1024xf32> to vector<1x1024xf32>
    %broadcast_in_dim3A_718 = vector.broadcast %broadcast_in_dim3A_717 : vector<1x1024xf32> to vector<1280x1024xf32>
    %broadcast_in_dim3A_719 = vector.broadcast %jit3A_716 : f32 to vector<1280x1024xf32>
    %select_n3A_720 = arith.select %eq3A_704, %broadcast_in_dim3A_718, %broadcast_in_dim3A_719 : vector<1280x1024xi1>, vector<1280x1024xf32>
    %reduce_sum3A_721 = arith.constant dense<0.000000e+00> : vector<1280xf32>
    %reduce_sum3A_722 = vector.multi_reduction <add>, %select_n3A_720, %reduce_sum3A_721 [1] : vector<1280x1024xf32> to vector<1280xf32>
    %broadcast_in_dim3A_723 = vector.shape_cast %reduce_sum3A_722 : vector<1280xf32> to vector<1280x1xf32>
    %swap3A_724 = arith.constant 0 : index
    %swap3A_725 = arith.constant 0 : index
    %swap3A_726 = vector.load %arg6[%swap3A_724, %swap3A_725] : memref<1280x1xf32, #tpu.memory_space<vmem>>, vector<1280x1xf32>
    tpu.vector_store %arg6[%swap3A_724, %swap3A_725], %broadcast_in_dim3A_723 {strides = array<i32>} : memref<1280x1xf32, #tpu.memory_space<vmem>>, vector<1280x1xf32>,
    %add3A_727 = arith.addf %dot_general3A_635, %mul3A_629 : vector<1x8xf32>
    %iota3A_728 = tpu.iota {dimensions = array<i32: 0>} : vector<40x8xi32>
    %convert_element_type3A_729 = arith.sitofp %iota3A_728 : vector<40x8xi32> to vector<40x8xf32>
    %mul3A_730 = arith.constant 3.200000e+01 : f32
    %mul3A_731 = vector.broadcast %mul3A_730 : f32 to vector<40x8xf32>
    %mul3A_732 = arith.mulf %convert_element_type3A_729, %mul3A_731 : vector<40x8xf32>
    %le3A = vector.broadcast %add3A_727 : vector<1x8xf32> to vector<40x8xf32>
    %le3A_733 = arith.cmpf ole, %le3A, %mul3A_732 : vector<40x8xf32>
    %convert_element_type3A_734 = arith.extui %le3A_733 : vector<40x8xi1> to vector<40x8xi32>
    %reduce_sum3A_735 = arith.constant dense<0> : vector<40xi32>
    %reduce_sum3A_736 = vector.multi_reduction <add>, %convert_element_type3A_734, %reduce_sum3A_735 [1] : vector<40x8xi32> to vector<40xi32>
    %broadcast_in_dim3A_737 = vector.shape_cast %reduce_sum3A_736 : vector<40xi32> to vector<40x1xi32>
    %min3A = arith.constant 7 : i32
    %min3A_738 = vector.broadcast %min3A : i32 to vector<40x1xi32>
    %min3A_739 = arith.minsi %broadcast_in_dim3A_737, %min3A_738 : vector<40x1xi32>
    %swap3A_740 = arith.constant 0 : index
    %swap3A_741 = arith.constant 0 : index
    %swap3A_742 = vector.load %arg7[%swap3A_740, %swap3A_741] : memref<40x1xi32, #tpu.memory_space<vmem>>, vector<40x1xi32>
    tpu.vector_store %arg7[%swap3A_740, %swap3A_741], %min3A_739 {strides = array<i32>} : memref<40x1xi32, #tpu.memory_space<vmem>>, vector<40x1xi32>,
    %swap3A_743 = arith.constant 0 : index
    %swap3A_744 = arith.constant 0 : index
    %swap3A_745 = vector.load %arg3[%swap3A_743, %swap3A_744] : memref<1024x8xf32, #tpu.memory_space<vmem>>, vector<1024x8xf32>
    tpu.vector_store %arg3[%swap3A_743, %swap3A_744], %convert_element_type3A_592 {strides = array<i32>} : memref<1024x8xf32, #tpu.memory_space<vmem>>, vector<1024x8xf32>,
    %swap3A_746 = arith.constant 0 : index
    %swap3A_747 = arith.constant 0 : index
    %swap3A_748 = vector.load %arg9[%swap3A_746, %swap3A_747] : memref<1x8xf32, #tpu.memory_space<vmem>>, vector<1x8xf32>
    tpu.vector_store %arg9[%swap3A_746, %swap3A_747], %broadcast_in_dim3A_599 {strides = array<i32>} : memref<1x8xf32, #tpu.memory_space<vmem>>, vector<1x8xf32>,
    return
  }
}

module attributes {stable_mosaic.version = 14 : i64} {
  func.func @_dense_kernel(%arg0: i32, %arg1: memref<40xi32, #tpu.memory_space<smem>>, %arg2: memref<32x3328xf32, #tpu.memory_space<vmem>>, %arg3: memref<32x1xf32, #tpu.memory_space<vmem>>, %arg4: memref<1x288x1024xf32, #tpu.memory_space<vmem>>, %arg5: memref<1x1x1024xf32, #tpu.memory_space<vmem>>, %arg6: memref<1x576x64xf32, #tpu.memory_space<vmem>>, %arg7: memref<1x1x64xf32, #tpu.memory_space<vmem>>, %arg8: memref<1x64x1000xf32, #tpu.memory_space<vmem>>, %arg9: memref<1x1x1000xf32, #tpu.memory_space<vmem>>, %arg10: memref<32x1024xf32, #tpu.memory_space<vmem>>) attributes {dimension_semantics = [#tpu.dimension_semantics<arbitrary>], iteration_bounds = array<i64: 40>, scalar_prefetch = 1 : i64, scratch_operands = 0 : i64, tpu.core_type = #tpu.core_type<tc>, window_params = [{transform_indices = @transform_0, window_bounds = array<i64: 32, 3328>}, {transform_indices = @transform_1, window_bounds = array<i64: 32, 1>}, {transform_indices = @transform_2, window_bounds = array<i64: 1, 288, 1024>}, {transform_indices = @transform_3, window_bounds = array<i64: 1, 1, 1024>}, {transform_indices = @transform_4, window_bounds = array<i64: 1, 576, 64>}, {transform_indices = @transform_5, window_bounds = array<i64: 1, 1, 64>}, {transform_indices = @transform_6, window_bounds = array<i64: 1, 64, 1000>}, {transform_indices = @transform_7, window_bounds = array<i64: 1, 1, 1000>}, {transform_indices = @transform_8, window_bounds = array<i64: 32, 1024>}]} {
    %get3A = arith.constant 0 : index
    %get3A_0 = arith.constant 0 : index
    %get3A_1 = vector.load %arg2[%get3A, %get3A_0] : memref<32x3328xf32, #tpu.memory_space<vmem>>, vector<32x3328xf32>
    %slice3A = vector.extract_strided_slice %get3A_1 {offsets = [0, 0], sizes = [32, 288], strides = [1, 1]} : vector<32x3328xf32> to vector<32x288xf32>
    %slice3A_2 = vector.extract_strided_slice %get3A_1 {offsets = [0, 192], sizes = [32, 288], strides = [1, 1]} : vector<32x3328xf32> to vector<32x288xf32>
    %slice3A_3 = vector.extract_strided_slice %get3A_1 {offsets = [0, 384], sizes = [32, 288], strides = [1, 1]} : vector<32x3328xf32> to vector<32x288xf32>
    %slice3A_4 = vector.extract_strided_slice %get3A_1 {offsets = [0, 576], sizes = [32, 288], strides = [1, 1]} : vector<32x3328xf32> to vector<32x288xf32>
    %slice3A_5 = vector.extract_strided_slice %get3A_1 {offsets = [0, 768], sizes = [32, 288], strides = [1, 1]} : vector<32x3328xf32> to vector<32x288xf32>
    %slice3A_6 = vector.extract_strided_slice %get3A_1 {offsets = [0, 960], sizes = [32, 288], strides = [1, 1]} : vector<32x3328xf32> to vector<32x288xf32>
    %slice3A_7 = vector.extract_strided_slice %get3A_1 {offsets = [0, 1152], sizes = [32, 288], strides = [1, 1]} : vector<32x3328xf32> to vector<32x288xf32>
    %slice3A_8 = vector.extract_strided_slice %get3A_1 {offsets = [0, 1344], sizes = [32, 288], strides = [1, 1]} : vector<32x3328xf32> to vector<32x288xf32>
    %slice3A_9 = vector.extract_strided_slice %get3A_1 {offsets = [0, 1536], sizes = [32, 288], strides = [1, 1]} : vector<32x3328xf32> to vector<32x288xf32>
    %slice3A_10 = vector.extract_strided_slice %get3A_1 {offsets = [0, 1728], sizes = [32, 288], strides = [1, 1]} : vector<32x3328xf32> to vector<32x288xf32>
    %slice3A_11 = vector.extract_strided_slice %get3A_1 {offsets = [0, 1920], sizes = [32, 288], strides = [1, 1]} : vector<32x3328xf32> to vector<32x288xf32>
    %slice3A_12 = vector.extract_strided_slice %get3A_1 {offsets = [0, 2112], sizes = [32, 288], strides = [1, 1]} : vector<32x3328xf32> to vector<32x288xf32>
    %slice3A_13 = vector.extract_strided_slice %get3A_1 {offsets = [0, 2304], sizes = [32, 288], strides = [1, 1]} : vector<32x3328xf32> to vector<32x288xf32>
    %slice3A_14 = vector.extract_strided_slice %get3A_1 {offsets = [0, 2496], sizes = [32, 288], strides = [1, 1]} : vector<32x3328xf32> to vector<32x288xf32>
    %slice3A_15 = vector.extract_strided_slice %get3A_1 {offsets = [0, 2688], sizes = [32, 288], strides = [1, 1]} : vector<32x3328xf32> to vector<32x288xf32>
    %slice3A_16 = vector.extract_strided_slice %get3A_1 {offsets = [0, 2880], sizes = [32, 288], strides = [1, 1]} : vector<32x3328xf32> to vector<32x288xf32>
    %stack3A = vector.shape_cast %slice3A : vector<32x288xf32> to vector<32x1x288xf32>
    %stack3A_17 = vector.shape_cast %slice3A_2 : vector<32x288xf32> to vector<32x1x288xf32>
    %stack3A_18 = vector.shape_cast %slice3A_3 : vector<32x288xf32> to vector<32x1x288xf32>
    %stack3A_19 = vector.shape_cast %slice3A_4 : vector<32x288xf32> to vector<32x1x288xf32>
    %stack3A_20 = vector.shape_cast %slice3A_5 : vector<32x288xf32> to vector<32x1x288xf32>
    %stack3A_21 = vector.shape_cast %slice3A_6 : vector<32x288xf32> to vector<32x1x288xf32>
    %stack3A_22 = vector.shape_cast %slice3A_7 : vector<32x288xf32> to vector<32x1x288xf32>
    %stack3A_23 = vector.shape_cast %slice3A_8 : vector<32x288xf32> to vector<32x1x288xf32>
    %stack3A_24 = vector.shape_cast %slice3A_9 : vector<32x288xf32> to vector<32x1x288xf32>
    %stack3A_25 = vector.shape_cast %slice3A_10 : vector<32x288xf32> to vector<32x1x288xf32>
    %stack3A_26 = vector.shape_cast %slice3A_11 : vector<32x288xf32> to vector<32x1x288xf32>
    %stack3A_27 = vector.shape_cast %slice3A_12 : vector<32x288xf32> to vector<32x1x288xf32>
    %stack3A_28 = vector.shape_cast %slice3A_13 : vector<32x288xf32> to vector<32x1x288xf32>
    %stack3A_29 = vector.shape_cast %slice3A_14 : vector<32x288xf32> to vector<32x1x288xf32>
    %stack3A_30 = vector.shape_cast %slice3A_15 : vector<32x288xf32> to vector<32x1x288xf32>
    %stack3A_31 = vector.shape_cast %slice3A_16 : vector<32x288xf32> to vector<32x1x288xf32>
    %stack3A_32 = tpu.concatenate %stack3A, %stack3A_17, %stack3A_18, %stack3A_19, %stack3A_20, %stack3A_21, %stack3A_22, %stack3A_23, %stack3A_24, %stack3A_25, %stack3A_26, %stack3A_27, %stack3A_28, %stack3A_29, %stack3A_30, %stack3A_31 in 1 : vector<32x1x288xf32>, vector<32x1x288xf32>, vector<32x1x288xf32>, vector<32x1x288xf32>, vector<32x1x288xf32>, vector<32x1x288xf32>, vector<32x1x288xf32>, vector<32x1x288xf32>, vector<32x1x288xf32>, vector<32x1x288xf32>, vector<32x1x288xf32>, vector<32x1x288xf32>, vector<32x1x288xf32>, vector<32x1x288xf32>, vector<32x1x288xf32>, vector<32x1x288xf32> -> vector<32x16x288xf32>
    %reshape3A = vector.shape_cast %stack3A_32 : vector<32x16x288xf32> to vector<512x288xf32>
    %get3A_33 = arith.constant 0 : index
    %get3A_34 = arith.constant 0 : index
    %get3A_35 = arith.constant 0 : index
    %get3A_36 = vector.load %arg4[%get3A_33, %get3A_34, %get3A_35] : memref<1x288x1024xf32, #tpu.memory_space<vmem>>, vector<1x288x1024xf32>
    %get3A_37 = vector.shape_cast %get3A_36 : vector<1x288x1024xf32> to vector<288x1024xf32>
    %dot_general3A = arith.constant dense<0.000000e+00> : vector<512x1024xf32>
    %dot_general3A_38 = tpu.matmul %reshape3A, %get3A_37, %dot_general3A {dimension_numbers = #tpu.dot_dimension_numbers<[1], [0], [0], [1], [0, 0, 1, 1], [], []>, transpose_lhs_hint = false} : vector<512x288xf32>, vector<288x1024xf32>, vector<512x1024xf32> -> vector<512x1024xf32>
    %get3A_39 = arith.constant 0 : index
    %get3A_40 = arith.constant 0 : index
    %get3A_41 = arith.constant 0 : index
    %get3A_42 = vector.load %arg5[%get3A_39, %get3A_40, %get3A_41] : memref<1x1x1024xf32, #tpu.memory_space<vmem>>, vector<1x1x1024xf32>
    %get3A_43 = vector.shape_cast %get3A_42 : vector<1x1x1024xf32> to vector<1x1024xf32>
    %add3A = vector.broadcast %get3A_43 : vector<1x1024xf32> to vector<512x1024xf32>
    %add3A_44 = arith.addf %dot_general3A_38, %add3A : vector<512x1024xf32>
    %max3A = arith.constant 0.000000e+00 : f32
    %max3A_45 = vector.broadcast %max3A : f32 to vector<512x1024xf32>
    %max3A_46 = arith.maximumf %add3A_44, %max3A_45 : vector<512x1024xf32>
    %reshape3A_47 = vector.shape_cast %max3A_46 : vector<512x1024xf32> to vector<32x16x16x64xf32>
    %jit3A = arith.constant 0 : i32
    %convert_element_type3A = arith.sitofp %jit3A : i32 to f32
    %pad3A = vector.broadcast %convert_element_type3A : f32 to vector<32x2x16x64xf32>
    %pad3A_48 = tpu.concatenate %reshape3A_47, %pad3A in 1 : vector<32x16x16x64xf32>, vector<32x2x16x64xf32> -> vector<32x18x16x64xf32>
    %pad3A_49 = vector.broadcast %convert_element_type3A : f32 to vector<32x18x2x64xf32>
    %pad3A_50 = tpu.concatenate %pad3A_48, %pad3A_49 in 2 : vector<32x18x16x64xf32>, vector<32x18x2x64xf32> -> vector<32x18x18x64xf32>
    %reshape3A_51 = vector.shape_cast %pad3A_50 : vector<32x18x18x64xf32> to vector<32x9x2x9x2x64xf32>
    %slice3A_52 = vector.extract_strided_slice %reshape3A_51 {offsets = [0, 0, 0, 0, 0, 0], sizes = [32, 8, 1, 8, 1, 64], strides = [1, 1, 1, 1, 1, 1]} : vector<32x9x2x9x2x64xf32> to vector<32x8x1x8x1x64xf32>
    %squeeze3A = vector.shape_cast %slice3A_52 : vector<32x8x1x8x1x64xf32> to vector<32x8x8x64xf32>
    %slice3A_53 = vector.extract_strided_slice %reshape3A_51 {offsets = [0, 0, 0, 0, 1, 0], sizes = [32, 8, 1, 8, 1, 64], strides = [1, 1, 1, 1, 1, 1]} : vector<32x9x2x9x2x64xf32> to vector<32x8x1x8x1x64xf32>
    %squeeze3A_54 = vector.shape_cast %slice3A_53 : vector<32x8x1x8x1x64xf32> to vector<32x8x8x64xf32>
    %slice3A_55 = vector.extract_strided_slice %reshape3A_51 {offsets = [0, 0, 0, 1, 0, 0], sizes = [32, 8, 1, 8, 1, 64], strides = [1, 1, 1, 1, 1, 1]} : vector<32x9x2x9x2x64xf32> to vector<32x8x1x8x1x64xf32>
    %squeeze3A_56 = vector.shape_cast %slice3A_55 : vector<32x8x1x8x1x64xf32> to vector<32x8x8x64xf32>
    %slice3A_57 = vector.extract_strided_slice %reshape3A_51 {offsets = [0, 0, 1, 0, 0, 0], sizes = [32, 8, 1, 8, 1, 64], strides = [1, 1, 1, 1, 1, 1]} : vector<32x9x2x9x2x64xf32> to vector<32x8x1x8x1x64xf32>
    %squeeze3A_58 = vector.shape_cast %slice3A_57 : vector<32x8x1x8x1x64xf32> to vector<32x8x8x64xf32>
    %slice3A_59 = vector.extract_strided_slice %reshape3A_51 {offsets = [0, 0, 1, 0, 1, 0], sizes = [32, 8, 1, 8, 1, 64], strides = [1, 1, 1, 1, 1, 1]} : vector<32x9x2x9x2x64xf32> to vector<32x8x1x8x1x64xf32>
    %squeeze3A_60 = vector.shape_cast %slice3A_59 : vector<32x8x1x8x1x64xf32> to vector<32x8x8x64xf32>
    %slice3A_61 = vector.extract_strided_slice %reshape3A_51 {offsets = [0, 0, 1, 1, 0, 0], sizes = [32, 8, 1, 8, 1, 64], strides = [1, 1, 1, 1, 1, 1]} : vector<32x9x2x9x2x64xf32> to vector<32x8x1x8x1x64xf32>
    %squeeze3A_62 = vector.shape_cast %slice3A_61 : vector<32x8x1x8x1x64xf32> to vector<32x8x8x64xf32>
    %slice3A_63 = vector.extract_strided_slice %reshape3A_51 {offsets = [0, 1, 0, 0, 0, 0], sizes = [32, 8, 1, 8, 1, 64], strides = [1, 1, 1, 1, 1, 1]} : vector<32x9x2x9x2x64xf32> to vector<32x8x1x8x1x64xf32>
    %squeeze3A_64 = vector.shape_cast %slice3A_63 : vector<32x8x1x8x1x64xf32> to vector<32x8x8x64xf32>
    %slice3A_65 = vector.extract_strided_slice %reshape3A_51 {offsets = [0, 1, 0, 0, 1, 0], sizes = [32, 8, 1, 8, 1, 64], strides = [1, 1, 1, 1, 1, 1]} : vector<32x9x2x9x2x64xf32> to vector<32x8x1x8x1x64xf32>
    %squeeze3A_66 = vector.shape_cast %slice3A_65 : vector<32x8x1x8x1x64xf32> to vector<32x8x8x64xf32>
    %slice3A_67 = vector.extract_strided_slice %reshape3A_51 {offsets = [0, 1, 0, 1, 0, 0], sizes = [32, 8, 1, 8, 1, 64], strides = [1, 1, 1, 1, 1, 1]} : vector<32x9x2x9x2x64xf32> to vector<32x8x1x8x1x64xf32>
    %squeeze3A_68 = vector.shape_cast %slice3A_67 : vector<32x8x1x8x1x64xf32> to vector<32x8x8x64xf32>
    %concatenate3A = tpu.concatenate %squeeze3A, %squeeze3A_54, %squeeze3A_56, %squeeze3A_58, %squeeze3A_60, %squeeze3A_62, %squeeze3A_64, %squeeze3A_66, %squeeze3A_68 in 3 : vector<32x8x8x64xf32>, vector<32x8x8x64xf32>, vector<32x8x8x64xf32>, vector<32x8x8x64xf32>, vector<32x8x8x64xf32>, vector<32x8x8x64xf32>, vector<32x8x8x64xf32>, vector<32x8x8x64xf32>, vector<32x8x8x64xf32> -> vector<32x8x8x576xf32>
    %reshape3A_69 = vector.shape_cast %concatenate3A : vector<32x8x8x576xf32> to vector<2048x576xf32>
    %get3A_70 = arith.constant 0 : index
    %get3A_71 = arith.constant 0 : index
    %get3A_72 = arith.constant 0 : index
    %get3A_73 = vector.load %arg6[%get3A_70, %get3A_71, %get3A_72] : memref<1x576x64xf32, #tpu.memory_space<vmem>>, vector<1x576x64xf32>
    %get3A_74 = vector.shape_cast %get3A_73 : vector<1x576x64xf32> to vector<576x64xf32>
    %dot_general3A_75 = arith.constant dense<0.000000e+00> : vector<2048x64xf32>
    %dot_general3A_76 = tpu.matmul %reshape3A_69, %get3A_74, %dot_general3A_75 {dimension_numbers = #tpu.dot_dimension_numbers<[1], [0], [0], [1], [0, 0, 1, 1], [], []>, transpose_lhs_hint = false} : vector<2048x576xf32>, vector<576x64xf32>, vector<2048x64xf32> -> vector<2048x64xf32>
    %get3A_77 = arith.constant 0 : index
    %get3A_78 = arith.constant 0 : index
    %get3A_79 = arith.constant 0 : index
    %get3A_80 = vector.load %arg7[%get3A_77, %get3A_78, %get3A_79] : memref<1x1x64xf32, #tpu.memory_space<vmem>>, vector<1x1x64xf32>
    %get3A_81 = vector.shape_cast %get3A_80 : vector<1x1x64xf32> to vector<1x64xf32>
    %add3A_82 = vector.broadcast %get3A_81 : vector<1x64xf32> to vector<2048x64xf32>
    %add3A_83 = arith.addf %dot_general3A_76, %add3A_82 : vector<2048x64xf32>
    %max3A_84 = arith.constant 0.000000e+00 : f32
    %max3A_85 = vector.broadcast %max3A_84 : f32 to vector<2048x64xf32>
    %max3A_86 = arith.maximumf %add3A_83, %max3A_85 : vector<2048x64xf32>
    %reshape3A_87 = vector.shape_cast %max3A_86 : vector<2048x64xf32> to vector<32x64x64xf32>
    %reduce_sum3A = arith.constant dense<0.000000e+00> : vector<32x64xf32>
    %reduce_sum3A_88 = vector.multi_reduction <add>, %reshape3A_87, %reduce_sum3A [1] : vector<32x64x64xf32> to vector<32x64xf32>
    %div3A = arith.constant 6.400000e+01 : f32
    %div3A_89 = vector.broadcast %div3A : f32 to vector<32x64xf32>
    %div3A_90 = arith.divf %reduce_sum3A_88, %div3A_89 : vector<32x64xf32>
    %get3A_91 = arith.constant 0 : index
    %get3A_92 = arith.constant 0 : index
    %get3A_93 = arith.constant 0 : index
    %get3A_94 = vector.load %arg8[%get3A_91, %get3A_92, %get3A_93] : memref<1x64x1000xf32, #tpu.memory_space<vmem>>, vector<1x64x1000xf32>
    %get3A_95 = vector.shape_cast %get3A_94 : vector<1x64x1000xf32> to vector<64x1000xf32>
    %dot_general3A_96 = arith.constant dense<0.000000e+00> : vector<32x1000xf32>
    %dot_general3A_97 = tpu.matmul %div3A_90, %get3A_95, %dot_general3A_96 {dimension_numbers = #tpu.dot_dimension_numbers<[1], [0], [0], [1], [0, 0, 1, 1], [], []>, transpose_lhs_hint = false} : vector<32x64xf32>, vector<64x1000xf32>, vector<32x1000xf32> -> vector<32x1000xf32>
    %get3A_98 = arith.constant 0 : index
    %get3A_99 = arith.constant 0 : index
    %get3A_100 = arith.constant 0 : index
    %get3A_101 = vector.load %arg9[%get3A_98, %get3A_99, %get3A_100] : memref<1x1x1000xf32, #tpu.memory_space<vmem>>, vector<1x1x1000xf32>
    %get3A_102 = vector.shape_cast %get3A_101 : vector<1x1x1000xf32> to vector<1x1000xf32>
    %add3A_103 = vector.broadcast %get3A_102 : vector<1x1000xf32> to vector<32x1000xf32>
    %add3A_104 = arith.addf %dot_general3A_97, %add3A_103 : vector<32x1000xf32>
    %get3A_105 = arith.constant 0 : index
    %get3A_106 = arith.constant 0 : index
    %get3A_107 = vector.load %arg3[%get3A_105, %get3A_106] : memref<32x1xf32, #tpu.memory_space<vmem>>, vector<32x1xf32>
    %mul3A = vector.broadcast %get3A_107 : vector<32x1xf32> to vector<32x1000xf32>
    %mul3A_108 = arith.mulf %add3A_104, %mul3A : vector<32x1000xf32>
    %jit3A_109 = arith.constant 0 : i32
    %convert_element_type3A_110 = arith.sitofp %jit3A_109 : i32 to f32
    %pad3A_111 = vector.broadcast %convert_element_type3A_110 : f32 to vector<32x24xf32>
    %pad3A_112 = tpu.concatenate %mul3A_108, %pad3A_111 in 1 : vector<32x1000xf32>, vector<32x24xf32> -> vector<32x1024xf32>
    %swap3A = arith.constant 0 : index
    %swap3A_113 = arith.constant 0 : index
    %swap3A_114 = vector.load %arg10[%swap3A, %swap3A_113] : memref<32x1024xf32, #tpu.memory_space<vmem>>, vector<32x1024xf32>
    tpu.vector_store %arg10[%swap3A, %swap3A_113], %pad3A_112 {strides = array<i32>} : memref<32x1024xf32, #tpu.memory_space<vmem>>, vector<32x1024xf32>,
    return
  }
  func.func @transform_0(%arg0: i32, %arg1: memref<40xi32, #tpu.memory_space<smem>>) -> (i32, i32) {
    %c0_i32 = arith.constant 0 : i32
    %c0_i32_0 = arith.constant 0 : i32
    return %arg0, %c0_i32 : i32, i32
  }
  func.func @transform_1(%arg0: i32, %arg1: memref<40xi32, #tpu.memory_space<smem>>) -> (i32, i32) {
    %c0_i32 = arith.constant 0 : i32
    %c0_i32_0 = arith.constant 0 : i32
    return %arg0, %c0_i32 : i32, i32
  }
  func.func @transform_2(%arg0: i32, %arg1: memref<40xi32, #tpu.memory_space<smem>>) -> (i32, i32, i32) {
    %get3A = arith.index_cast %arg0 : i32 to index
    %get3A_0 = memref.load %arg1[%get3A] : memref<40xi32, #tpu.memory_space<smem>>
    %c0_i32 = arith.constant 0 : i32
    %c0_i32_1 = arith.constant 0 : i32
    %c0_i32_2 = arith.constant 0 : i32
    return %get3A_0, %c0_i32, %c0_i32_1 : i32, i32, i32
  }
  func.func @transform_3(%arg0: i32, %arg1: memref<40xi32, #tpu.memory_space<smem>>) -> (i32, i32, i32) {
    %get3A = arith.index_cast %arg0 : i32 to index
    %get3A_0 = memref.load %arg1[%get3A] : memref<40xi32, #tpu.memory_space<smem>>
    %c0_i32 = arith.constant 0 : i32
    %c0_i32_1 = arith.constant 0 : i32
    %c0_i32_2 = arith.constant 0 : i32
    return %get3A_0, %c0_i32, %c0_i32_1 : i32, i32, i32
  }
  func.func @transform_4(%arg0: i32, %arg1: memref<40xi32, #tpu.memory_space<smem>>) -> (i32, i32, i32) {
    %get3A = arith.index_cast %arg0 : i32 to index
    %get3A_0 = memref.load %arg1[%get3A] : memref<40xi32, #tpu.memory_space<smem>>
    %c0_i32 = arith.constant 0 : i32
    %c0_i32_1 = arith.constant 0 : i32
    %c0_i32_2 = arith.constant 0 : i32
    return %get3A_0, %c0_i32, %c0_i32_1 : i32, i32, i32
  }
  func.func @transform_5(%arg0: i32, %arg1: memref<40xi32, #tpu.memory_space<smem>>) -> (i32, i32, i32) {
    %get3A = arith.index_cast %arg0 : i32 to index
    %get3A_0 = memref.load %arg1[%get3A] : memref<40xi32, #tpu.memory_space<smem>>
    %c0_i32 = arith.constant 0 : i32
    %c0_i32_1 = arith.constant 0 : i32
    %c0_i32_2 = arith.constant 0 : i32
    return %get3A_0, %c0_i32, %c0_i32_1 : i32, i32, i32
  }
  func.func @transform_6(%arg0: i32, %arg1: memref<40xi32, #tpu.memory_space<smem>>) -> (i32, i32, i32) {
    %get3A = arith.index_cast %arg0 : i32 to index
    %get3A_0 = memref.load %arg1[%get3A] : memref<40xi32, #tpu.memory_space<smem>>
    %c0_i32 = arith.constant 0 : i32
    %c0_i32_1 = arith.constant 0 : i32
    %c0_i32_2 = arith.constant 0 : i32
    return %get3A_0, %c0_i32, %c0_i32_1 : i32, i32, i32
  }
  func.func @transform_7(%arg0: i32, %arg1: memref<40xi32, #tpu.memory_space<smem>>) -> (i32, i32, i32) {
    %get3A = arith.index_cast %arg0 : i32 to index
    %get3A_0 = memref.load %arg1[%get3A] : memref<40xi32, #tpu.memory_space<smem>>
    %c0_i32 = arith.constant 0 : i32
    %c0_i32_1 = arith.constant 0 : i32
    %c0_i32_2 = arith.constant 0 : i32
    return %get3A_0, %c0_i32, %c0_i32_1 : i32, i32, i32
  }
  func.func @transform_8(%arg0: i32, %arg1: memref<40xi32, #tpu.memory_space<smem>>) -> (i32, i32) {
    %c0_i32 = arith.constant 0 : i32
    %c0_i32_0 = arith.constant 0 : i32
    return %arg0, %c0_i32 : i32, i32
  }
}

</mosaic_0001>

<sc_bundles>
// kernel: kernel.6.cloned.1.call-start
scs
__scs_entry_jumppad:
0x0: {  	(pc) =	sbr.rel $0x88, $3  }
0x1: {  	(tag) =	ssettag $0x0;
	lr =	simm.s32 $0x1  }
0x2: {  	[smem:$0x3F98] =	sst lr;
	_ =	strace $0xD0000000  }
0x3: {  	_ = 	snop  }
0x4: {  	_ = 	snop  }
0x5: {  	_ = 	snop  }
0x6: {  	_ = 	snop  }
0x7: {  	_ = 	snop  }
__scs_overlays_trampoline_lowered:
0x8: {  	[smem:$0x3FA7] =	sst s0  }
0x9: {  	[smem:$0x3FA8] =	sst s1  }
0xa: {  	[smem:$0x3FA9] =	sst s2  }
0xb: {  	[smem:$0x3FAA] =	sst s3  }
0xc: {  	[smem:$0x3FAB] =	sst s4  }
0xd: {  	[smem:$0x3FAC] =	sst s5  }
0xe: {  	[smem:$0x3FAD] =	sst s6  }
0xf: {  	[smem:$0x3FAE] =	sst s7  }
0x10: {  	[smem:$0x3FAF] =	sst s8  }
0x11: {  	[smem:$0x3FB0] =	sst s9;
	s0 =	simm.s32 @!p0 $0x0  }
0x12: {  	s1 =	sld [smem:$0x3F96];
	s0 =	simm.s32 @p0 $0x1  }
0x13: {  	[smem:$0x3FB1] =	sst s0;
	s0 =	simm.s32 @!p1 $0x0  }
0x14: {  	s2 =	sld [smem:$0x3F95];
	s0 =	simm.s32 @p1 $0x1  }
0x15: {  	[smem:$0x3FB2] =	sst s0;
	s0 =	simm.s32 @!p2 $0x0  }
0x16: {  	s3 =	sld [smem:$0x3FDB];
	s0 =	simm.s32 @p2 $0x1  }
0x17: {  	s4 =	simm.s32 $0x1BF5;
	[smem:$0x3FB4] =	sst s0  }
0x18: {  	s0 =	sld [smem:$0x3F97];
	_ =	swait.ge [sflag:s4], $0x0  }
0x19: {  	s7 =	sld [smem:$0x3F98]  }
0x1a: {  	s8 =	sadd.s32 $0xFFFFE003, lr  }
0x1b: {  	s9 =	sadd.s32 $0xFFFFFEF7, lr;
	s5 =	simm.s32 $0xFFFFFFFF;
	p2 =	slt.u32 s8, $0xFFFFF086  }
0x1c: {  	p1 =	slt.u32 s9, $0xF7A;
	s5 =	simm.s32 @!p2 $0x0  }
0x1d: {  	s5 =	simm.s32 @p1 $0x1;
	p0 =	seq.s32 s7, s2  }
0x1e: {  	s7 =	smul.u32 @!p0 $0xF7A, s2;
	p2 =	seq.s32 @!p0 s5, $0x0  }
0x1f: {  	s9 =	smul.u32 $0xF7A, s1;
	s8 =	simm.s32 @!p0 $0x1BF5;
	p2 =	por !p2, p0  }
0x20: {  	[sflag:s8] =	ssyncset.s32 @!p0 $0xFFFFF086;
	s6 =	sadd.s32 @!p0 s3, s7;
	s7 =	simm.s32 @!p0 $0x108  }
0x21: {  	s3 =	sadd.s32 s3, s9;
	s6 =	sadd.s32 @!p0 $0x88, s6;
	s7 =	simm.s32 @p2 $0x1082  }
0x22: {  	[simem:s7], [sflag:s8] =	dma.local @!p0 [hbm:s6], $0xF7A  }
0x23: {  	s9 =	sor.u32 $0xD0000000, s2;
	s6 =	simm.s32 $0x108;
	_ =	swait.ge @!p0 [sflag:s8], $0x0  }
0x24: {  	s3 =	sadd.s32 $0x88, s3;
	s6 =	simm.s32 @!p1 $0x1082;
	[sflag:s4] =	ssyncset.s32 $0xFFFFF086  }
0x25: {  	[simem:s6], [sflag:s4] =	dma.local [hbm:s3], $0xF7A  }
0x26: {  	[smem:$0x3F98] =	sst s1;
	(tag) =	ssettag s2;
	_ =	strace s9  }
0x27: {  	s1 =	sld [smem:$0x3FA8]  }
0x28: {  	s2 =	sld [smem:$0x3FA9]  }
0x29: {  	s4 =	sld [smem:$0x3FAB]  }
0x2a: {  	p0 =	seq.s32 s5, $0x0;
	s5 =	sld [smem:$0x3FAC]  }
0x2b: {  	s6 =	sld [smem:$0x3FAD]  }
0x2c: {  	s7 =	sld [smem:$0x3FAE]  }
0x2d: {  	s3 =	simm.s32 $0x108;
	s8 =	sld [smem:$0x3FAF]  }
0x2e: {  	s3 =	simm.s32 @!p0 $0x1082;
	s9 =	sld [smem:$0x3FB0]  }
0x2f: {  	lr =	sadd.s32 s0, s3;
	s0 =	sld [smem:$0x3FA7]  }
0x30: {  	s3 =	sld [smem:$0x3FAA]  }
0x31: {  	[smem:$0x3FB3] =	sst s10  }
0x32: {  	s10 =	sld [smem:$0x3FB1];
	_ =	sdelay $0x3  }
0x33: {  	p0 =	seq.s32 s10, $0x1;
	s10 =	sld [smem:$0x3FB3];
	_ =	sdelay $0x3  }
0x34: {  	[smem:$0x3FB3] =	sst s10  }
0x35: {  	s10 =	sld [smem:$0x3FB2];
	_ =	sdelay $0x3  }
0x36: {  	p1 =	seq.s32 s10, $0x1;
	s10 =	sld [smem:$0x3FB3];
	_ =	sdelay $0x3  }
0x37: {  	[smem:$0x3FB3] =	sst s10  }
0x38: {  	s10 =	sld [smem:$0x3FB4]  }
0x39: {  	_ = 	snop;
	(pc) =	sbr.ind lr, $3  }
0x3a: {  	_ = 	snop  }
0x3b: {  	_ = 	snop  }
0x3c: {  	p2 =	seq.s32 s10, $0x1;
	s10 =	sld [smem:$0x3FB3]  }
0x3d: {  	_ =	shalt  }
0x3e: {  	_ =	shalt  }
0x3f: {  	_ =	shalt  }
0x40: {  	_ =	shalt  }
0x41: {  	_ =	shalt  }
0x42: {  	_ =	shalt  }
0x43: {  	_ =	shalt  }
0x44: {  	_ =	shalt  }
0x45: {  	_ =	shalt  }
0x46: {  	_ =	shalt  }
0x47: {  	_ =	shalt  }
0x48: {  	_ =	shalt  }
0x49: {  	_ =	shalt  }
0x4a: {  	_ =	shalt  }
0x4b: {  	_ =	shalt  }
0x4c: {  	_ =	shalt  }
0x4d: {  	_ =	shalt  }
0x4e: {  	_ =	shalt  }
0x4f: {  	_ =	shalt  }
0x50: {  	_ =	shalt  }
0x51: {  	_ =	shalt  }
0x52: {  	_ =	shalt  }
0x53: {  	_ =	shalt  }
0x54: {  	_ =	shalt  }
0x55: {  	_ =	shalt  }
0x56: {  	_ =	shalt  }
0x57: {  	_ =	shalt  }
0x58: {  	_ =	shalt  }
0x59: {  	_ =	shalt  }
0x5a: {  	_ =	shalt  }
0x5b: {  	_ =	shalt  }
0x5c: {  	_ =	shalt  }
0x5d: {  	_ =	shalt  }
0x5e: {  	_ =	shalt  }
0x5f: {  	_ =	shalt  }
0x60: {  	_ =	shalt  }
0x61: {  	_ =	shalt  }
0x62: {  	_ =	shalt  }
0x63: {  	_ =	shalt  }
0x64: {  	_ =	shalt  }
0x65: {  	_ =	shalt  }
0x66: {  	_ =	shalt  }
0x67: {  	_ =	shalt  }
0x68: {  	_ =	shalt  }
0x69: {  	_ =	shalt  }
0x6a: {  	_ =	shalt  }
0x6b: {  	_ =	shalt  }
0x6c: {  	_ =	shalt  }
0x6d: {  	_ =	shalt  }
0x6e: {  	_ =	shalt  }
0x6f: {  	_ =	shalt  }
0x70: {  	_ =	shalt  }
0x71: {  	_ =	shalt  }
0x72: {  	_ =	shalt  }
0x73: {  	_ =	shalt  }
0x74: {  	_ =	shalt  }
0x75: {  	_ =	shalt  }
0x76: {  	_ =	shalt  }
0x77: {  	_ =	shalt  }
0x78: {  	_ =	shalt  }
0x79: {  	_ =	shalt  }
0x7a: {  	_ =	shalt  }
0x7b: {  	_ =	shalt  }
0x7c: {  	_ =	shalt  }
0x7d: {  	_ =	shalt  }
0x7e: {  	_ =	shalt  }
0x7f: {  	_ =	shalt  }
0x80: {  	_ =	shalt  }
0x81: {  	_ =	shalt  }
0x82: {  	_ =	shalt  }
0x83: {  	_ =	shalt  }
0x84: {  	_ =	shalt  }
0x85: {  	_ =	shalt  }
0x86: {  	_ =	shalt  }
0x87: {  	_ =	shalt  }
.Lfunc_end0:
.L_simem_size_0:
called_computation_lowered:
.L_overlay_start_0:
0x88: {  	s2 =	sld [smem:$0x3FD9]  }
0x89: {  	s3 =	sld [smem:$0x3FFE];
	_ =	sdelay $0x1  }
0x8a: {  	s1 =	srdreg.scid  }
0x8b: {  	s0 =	sand.u32 $0x1, s1  }
0x8c: {  	s14 =	sshll.u32 s0, $0xA;
	s2 =	sadd.s32 s3, s2  }
0x8d: {  	s2 =	sadd.s32 s2, s14  }
0x8e: {  	[smem:$0x3FBF] =	sst s2  }
0x8f: {  	_ = 	snop  }
0x90: {  	s2 =	sld [smem:$0x3FD0];
	_ =	sdelay $0x2  }
0x91: {  	s15 =	simm.s32 $0xA;
	s4 =	simm.s32 $0x10  }
0x92: {  	[smem:s4], [sflag:s15] =	dma.local [hbm:s2], $0x1  }
0x93: {  	_ =	swait.eq [sflag:s15], $0x1  }
0x94: {  	[sflag:s15] =	ssyncset.done $0x0  }
0x95: {  	[sflag:s15] =	ssyncadd.s32 $0xFFFFFFFF  }
0x96: {  	s16 =	sld [smem:$0x11];
	(tm) =	ssettm $0x1  }
0x97: {  	s17 =	sld [smem:$0x3FFB];
	_ =	sdelay $0x3  }
0x98: {  	_ =	strace s17  }
0x99: {  	s3 =	sld [smem:$0x3FFC];
	_ =	sdelay $0x3  }
0x9a: {  	_ =	strace s3  }
0x9b: {  	s3 =	sld [smem:$0x3FFD];
	_ =	sdelay $0x3  }
0x9c: {  	_ =	strace s3  }
0x9d: {  	_ =	strace $0x8FFFFFFF  }
0x9e: {  	s18 =	sld [smem:$0x3FDB];
	_ =	sdelay $0x1  }
0x9f: {  	s19 =	simm.s32 $_scs_section_size  }
0xa0: {  	s5 =	simm.s32 $_size__tile_overlayer_lowered;
	s6 =	simm.s32 $_tile_overlayer_lowered  }
0xa1: {  	s22 =	simm.s32 $0x1BFF;
	s21 =	sshll.u32 s6, $0x1;
	s3 =	sadd.s32 s19, s18  }
0xa2: {  	s7 =	simm.s32 $0x0;
	s20 =	sshll.u32 s5, $0x1;
	s5 =	sadd.s32 s21, s3  }
0xa3: {  	[timem:s7], [sflag:s22] =	dma.local [hbm:s5], s20  }
0xa4: {  	_ =	swait.ge [sflag:s22], s20  }
0xa5: {  	s4 =	ssub.s32 $0x0, s20;
	[sflag:s22] =	ssyncset.done $0x0  }
0xa6: {  	[sflag:s22] =	ssyncadd.s32 s4;
	_ =	sdelay $0x1  }
0xa7: {  	s23 =	simm.s32 $0x1B8B  }
0xa8: {  	_ =	swait.ge [sflag:s23], $0x1  }
0xa9: {  	[sflag:s23] =	ssyncset.done $0x0  }
0xaa: {  	s25 =	simm.s32 $0x1B8E;
	s24 =	sld [smem:$0x3FFE];
	[sflag:s23] =	ssyncadd.s32 $0xFFFFFFFF  }
0xab: {  	s26 =	simm.s32 $execute0_lowered;
	[smem:$0x3FD2] =	sst s25  }
0xac: {  	s5 =	sshll.u32 s26, $0x1;
	_ =	strace $0x80000046;
	[dreg:$0x1] =	wrdreg $0xFFFFFFFF  }
0xad: {  	s28 =	simm.s32 $_size_execute0_lowered;
	s3 =	sadd.s32 s3, s5;
	[dreg:$0x0] =	wrdreg $0x0  }
0xae: {  	s5 =	sshll.u32 s28, $0x1;
	[dreg:$0x2] =	wrdreg s3  }
0xaf: {  	[dreg:$0x3] =	wrdreg s5  }
0xb0: {  	[dreg:$0x4] =	wrdreg $0xC0  }
0xb1: {  	_ =	task [dreg:s7], $0x5FFFF  }
0xb2: {  	[dreg:$0x1] =	wrdreg $0xFFFFFFFF  }
0xb3: {  	[dreg:$0x0] =	wrdreg $0x60  }
0xb4: {  	[dreg:$0x2] =	wrdreg s24  }
0xb5: {  	[dreg:$0x3] =	wrdreg s16  }
0xb6: {  	[dreg:$0x4] =	wrdreg $0x9  }
0xb7: {  	_ =	task.clear_ibuf [dreg:s7], $0x5FFFF;
	_ =	strace $0x90000046  }
0xb8: {  	s29 =	simm.s32 $0x9;
	_ =	strace $0x80000048  }
0xb9: {  	_ =	swait.ge [sflag:s29], $0x1  }
0xba: {  	[sflag:s29] =	ssyncadd.s32 $0xFFFFFFFF  }
0xbb: {  	_ =	strace $0x90000048  }
0xbc: {  	_ =	sfence  }
0xbd: {  	s30 =	sld [smem:$0x0];
	_ =	sdelay $0x2  }
0xbe: {  	s31 =	sshll.u32 s1, $0xD;
	s1 =	sshrl.u32 s1, $0x2  }
0xbf: {  	s3 =	sand.u32 $0x4000, s31;
	s1 =	sadd.s32 s1, s30  }
0xc0: {  	s0 =	sor.u32 s3, s0;
	s1 =	sshll.u32 s1, $0x11  }
0xc1: {  	s0 =	sor.u32 s1, s0  }
0xc2: {  	s0 =	sadd.s32 $0x8F2B, s0  }
0xc3: {  	[sflag:s0] =	ssyncadd.remote.s32 $0x1  }
0xc4: {  	_ =	sfence.sel $0xFFFF  }
0xc5: {  	[dreg:$0x0] =	wrdreg $0xFFFFFFFF;
	(pc) =	sbr.abs _section_cstart, $3  }
0xc6: {  	[dreg:$0x1] =	wrdreg $0xFFFFFFFF  }
0xc7: {  	_ =	task.clear_ibuf [dreg:s7], $0x2FFFF;
	_ =	strace $0x9FFFFFFF  }
0xc8: {  	(tm) =	ssettm $0x7FFFFFFF  }
0xc9: {  	_ =	shalt  }
tec
execute0_lowered:
.L_overlay_start_1:
0x0: {  	(tag) =	ssettag $0x1  }
0x1: {  	s0 =	rddreg [dreg:$0x0]  }
0x2: {  	s1 =	srdreg.scid;
	s2 =	stileid.u32  }
0x3: {  	s4 =	rddreg [dreg:$0x1];
	s19 =	simm.s32 $0x2;
	s28 =	simm.s32 $0x3880  }
0x4: {  	s29 =	simm.s32 $0x4080;
	s30 =	simm.s32 $0x4880;
	s31 =	simm.s32 $0x5080  }
0x5: {  	s1 =	sand.u32 $0x1, s1;
	s3 =	sshll.u32 s2, $0x1;
	s2 =	simm.s32 $0x0  }
0x6: {  	s15 =	sadd.s32 $0x68C00, s0;
	s6 =	sadd.s32 $0xE00, s0;
	s7 =	sadd.s32 $0xF00, s0  }
0x7: {  	s8 =	sadd.s32 $0x1000, s0;
	s11 =	sadd.s32 $0x1300, s0;
	s3 =	sor.u32 s1, s3  }
0x8: {  	[smem:$0x7FF] =	sst s2;
	s1 =	ssub.s32 $0x2, s1;
	s13 =	smul.u32 $0x28, s3  }
0x9: {  	_ =	strace $0x80000047;
	s3 =	sadd.s32 $0xC00, s0;
	s5 =	sshrl.u32 s1, $0x1  }
0xa: {  	s1 =	ssub.s32 s1, s5;
	s5 =	sadd.s32 $0xD00, s0;
	s9 =	sshrl.u32 s13, $0x3  }
0xb: {  	s10 =	sadd.s32 $0x8, s13;
	s13 =	sadd.s32 $0x18, s13;
	s18 =	sadd.s32 s4, s9  }
0xc: {  	s12 =	smul.u32 $0xD00, s9;
	s14 =	sshrl.u32 s10, $0x3;
	s9 =	sadd.s32 $0x1100, s0  }
0xd: {  	s10 =	sadd.s32 $0x1200, s0;
	s22 =	sshrl.u32 s13, $0x3;
	s13 =	sadd.s32 $0x1400, s0  }
0xe: {  	s16 =	smul.u32 $0xD00, s14;
	s14 =	sadd.s32 s4, s14;
	s21 =	sadd.s32 $0x2, s18  }
0xf: {  	s17 =	smul.u32 $0xD00, s22;
	s4 =	sadd.s32 s4, s22;
	[dreg:$0xb] =	wrdreg s18  }
0x10: {  	s25 =	sadd.s32 $0x4, s18;
	s18 =	smax.u32 s1, $0x1;
	[dreg:$0x3] =	wrdreg s14  }
0x11: {  	s22 =	simm.s32 $0x1080;
	s1 =	simm.s32 $0x5880;
	[dreg:$0x5] =	wrdreg s21  }
0x12: {  	s12 =	sadd.s32 s15, s12;
	s14 =	sadd.s32 $0x1500, s0;
	[dreg:$0x7] =	wrdreg s4  }
0x13: {  	[dreg:$0x9] =	wrdreg s25;
	s21 =	simm.s32 $0x880;
	s25 =	simm.s32 $0x2880  }
0x14: {  	s4 =	simm.s32 $0x1;
	s20 =	sadd.s32 s15, s16;
	[dreg:$0xc] =	wrdreg s12  }
0x15: {  	s23 =	sadd.s32 $0x1A00, s12;
	s24 =	sadd.s32 s15, s17;
	[dreg:$0x4] =	wrdreg s20  }
0x16: {  	s15 =	sadd.s32 $0x1600, s0;
	s16 =	sadd.s32 $0x1700, s0;
	[dreg:$0x6] =	wrdreg s23  }
0x17: {  	v0 =	vlaneseq.u32;
	s26 =	sadd.s32 $0x3400, s12;
	s17 =	sadd.s32 $0x1800, s0;
	[dreg:$0x8] =	wrdreg s24  }
0x18: {  	v1 =	vshrl.u32 v0, $0x3;
	s0 =	simm.s32 $0x6080;
	[dreg:$0xa] =	wrdreg s26;
	s20 =	simm.s32 $0x80  }
0x19: {  	vm0 =	vmmov $0xffff;
	v0 =	vand.u32 $0x7, v0;
	v1 =	vmul.u32 $0x8, v1;
	s23 =	simm.s32 $0x1880;
	s24 =	simm.s32 $0x2080;
	s26 =	simm.s32 $0x3080  }
.LBB2_1:
0x1a: {  	s12 =	rddreg [dreg:$0xb]  }
0x1b: {  	[tilespmem:s2], [sflag:$0x2] =	stream.linear.gather [hbm4b:s12+s2], $0x8, $0x38;
	[tilespmem:$0x6880] =	vst v63  }
0x1c: {  	_ =	swait.ge [sflag:s19], $0x8  }
0x1d: {  	[sflag:s19] =	ssyncset.done $0x0  }
0x1e: {  	[sflag:s19] =	ssyncadd.s32 $0xFFFFFFF8  }
0x1f: {  	v2 =	vld.msk [tilespmem:$0x0], $0xff;
	_ =	sdelay $0x4  }
0x20: {  	v3 =	vshrl.u32 v2, $0x3  }
0x21: {  	v3 =	vmul.u32 $0xD0, v3  }
0x22: {  	v2 =	vand.u32 $0x7, v2  }
0x23: {  	v2 =	vor.u32 v2, v3  }
0x24: {  	v2 =	vperm.xlane v2, v0;
	_ =	sdelay $0x1  }
0x25: {  	v2 =	vadd.s32 v1, v2;
	_ =	sdelay $0x4  }
0x26: {  	[tilespmem:s20], [sflag:$0x1] =	stream.indirect_vreg.gather [hbm4b:s3+s2], $0x80, v2, vm0, $0xb8;
	[tilespmem:$0x6880] =	vst v63  }
0x27: {  	_ = 	snop  }
0x28: {  	[tilespmem:s21], [sflag:$0x1] =	stream.indirect_vreg.gather [hbm4b:s5+s2], $0x80, v2, vm0, $0xb8;
	[tilespmem:$0x6880] =	vst v63  }
0x29: {  	_ = 	snop  }
0x2a: {  	[tilespmem:s22], [sflag:$0x1] =	stream.indirect_vreg.gather [hbm4b:s6+s2], $0x80, v2, vm0, $0xb8;
	[tilespmem:$0x6880] =	vst v63  }
0x2b: {  	_ = 	snop  }
0x2c: {  	[tilespmem:s23], [sflag:$0x1] =	stream.indirect_vreg.gather [hbm4b:s7+s2], $0x80, v2, vm0, $0xb8;
	[tilespmem:$0x6880] =	vst v63  }
0x2d: {  	_ = 	snop  }
0x2e: {  	[tilespmem:s24], [sflag:$0x1] =	stream.indirect_vreg.gather [hbm4b:s8+s2], $0x80, v2, vm0, $0xb8;
	[tilespmem:$0x6880] =	vst v63  }
0x2f: {  	_ = 	snop  }
0x30: {  	[tilespmem:s25], [sflag:$0x1] =	stream.indirect_vreg.gather [hbm4b:s9+s2], $0x80, v2, vm0, $0xb8;
	[tilespmem:$0x6880] =	vst v63  }
0x31: {  	_ = 	snop  }
0x32: {  	[tilespmem:s26], [sflag:$0x1] =	stream.indirect_vreg.gather [hbm4b:s10+s2], $0x80, v2, vm0, $0xb8;
	[tilespmem:$0x6880] =	vst v63  }
0x33: {  	_ = 	snop  }
0x34: {  	[tilespmem:s28], [sflag:$0x1] =	stream.indirect_vreg.gather [hbm4b:s11+s2], $0x80, v2, vm0, $0xb8;
	[tilespmem:$0x6880] =	vst v63  }
0x35: {  	_ = 	snop  }
0x36: {  	[tilespmem:s29], [sflag:$0x1] =	stream.indirect_vreg.gather [hbm4b:s13+s2], $0x80, v2, vm0, $0xb8;
	[tilespmem:$0x6880] =	vst v63  }
0x37: {  	_ = 	snop  }
0x38: {  	[tilespmem:s30], [sflag:$0x1] =	stream.indirect_vreg.gather [hbm4b:s14+s2], $0x80, v2, vm0, $0xb8;
	[tilespmem:$0x6880] =	vst v63  }
0x39: {  	_ = 	snop  }
0x3a: {  	[tilespmem:s31], [sflag:$0x1] =	stream.indirect_vreg.gather [hbm4b:s15+s2], $0x80, v2, vm0, $0xb8;
	[tilespmem:$0x6880] =	vst v63  }
0x3b: {  	_ = 	snop  }
0x3c: {  	[tilespmem:s1], [sflag:$0x1] =	stream.indirect_vreg.gather [hbm4b:s16+s2], $0x80, v2, vm0, $0xb8;
	[tilespmem:$0x6880] =	vst v63  }
0x3d: {  	_ = 	snop  }
0x3e: {  	[tilespmem:s0], [sflag:$0x1] =	stream.indirect_vreg.gather [hbm4b:s17+s2], $0x80, v2, vm0, $0xb8;
	[tilespmem:$0x6880] =	vst v63  }
0x3f: {  	_ =	swait.ge [sflag:s4], $0x6800  }
0x40: {  	[sflag:s4] =	ssyncset.done $0x0  }
0x41: {  	s12 =	rddreg [dreg:$0xc];
	[sflag:s4] =	ssyncadd.s32 $0xFFFF9800  }
0x42: {  	[hbm4b:s12+s2] =	stream.linear.scatter [tilespmem:s20], [sflag:$0x2], $0x6800, $0x38;
	[tilespmem:$0x6880] =	vst v63  }
0x43: {  	_ =	swait.ge [sflag:s19], $0x6800  }
0x44: {  	[sflag:s19] =	ssyncset.done $0x0  }
0x45: {  	s12 =	rddreg [dreg:$0x3];
	[sflag:s19] =	ssyncadd.s32 $0xFFFF9800  }
0x46: {  	[tilespmem:s2], [sflag:$0x2] =	stream.linear.gather [hbm4b:s12+s2], $0x8, $0x38;
	[tilespmem:$0x6880] =	vst v63  }
0x47: {  	_ =	swait.ge [sflag:s19], $0x8  }
0x48: {  	[sflag:s19] =	ssyncset.done $0x0  }
0x49: {  	[sflag:s19] =	ssyncadd.s32 $0xFFFFFFF8  }
0x4a: {  	v2 =	vld.msk [tilespmem:$0x0], $0xff;
	_ =	sdelay $0x4  }
0x4b: {  	v3 =	vshrl.u32 v2, $0x3  }
0x4c: {  	v3 =	vmul.u32 $0xD0, v3  }
0x4d: {  	v2 =	vand.u32 $0x7, v2  }
0x4e: {  	v2 =	vor.u32 v2, v3  }
0x4f: {  	v2 =	vperm.xlane v2, v0;
	_ =	sdelay $0x1  }
0x50: {  	v2 =	vadd.s32 v1, v2;
	_ =	sdelay $0x4  }
0x51: {  	[tilespmem:s20], [sflag:$0x1] =	stream.indirect_vreg.gather [hbm4b:s3+s2], $0x80, v2, vm0, $0xb8;
	[tilespmem:$0x6880] =	vst v63  }
0x52: {  	_ = 	snop  }
0x53: {  	[tilespmem:s21], [sflag:$0x1] =	stream.indirect_vreg.gather [hbm4b:s5+s2], $0x80, v2, vm0, $0xb8;
	[tilespmem:$0x6880] =	vst v63  }
0x54: {  	_ = 	snop  }
0x55: {  	[tilespmem:s22], [sflag:$0x1] =	stream.indirect_vreg.gather [hbm4b:s6+s2], $0x80, v2, vm0, $0xb8;
	[tilespmem:$0x6880] =	vst v63  }
0x56: {  	_ = 	snop  }
0x57: {  	[tilespmem:s23], [sflag:$0x1] =	stream.indirect_vreg.gather [hbm4b:s7+s2], $0x80, v2, vm0, $0xb8;
	[tilespmem:$0x6880] =	vst v63  }
0x58: {  	_ = 	snop  }
0x59: {  	[tilespmem:s24], [sflag:$0x1] =	stream.indirect_vreg.gather [hbm4b:s8+s2], $0x80, v2, vm0, $0xb8;
	[tilespmem:$0x6880] =	vst v63  }
0x5a: {  	_ = 	snop  }
0x5b: {  	[tilespmem:s25], [sflag:$0x1] =	stream.indirect_vreg.gather [hbm4b:s9+s2], $0x80, v2, vm0, $0xb8;
	[tilespmem:$0x6880] =	vst v63  }
0x5c: {  	_ = 	snop  }
0x5d: {  	[tilespmem:s26], [sflag:$0x1] =	stream.indirect_vreg.gather [hbm4b:s10+s2], $0x80, v2, vm0, $0xb8;
	[tilespmem:$0x6880] =	vst v63  }
0x5e: {  	_ = 	snop  }
0x5f: {  	[tilespmem:s28], [sflag:$0x1] =	stream.indirect_vreg.gather [hbm4b:s11+s2], $0x80, v2, vm0, $0xb8;
	[tilespmem:$0x6880] =	vst v63  }
0x60: {  	_ = 	snop  }
0x61: {  	[tilespmem:s29], [sflag:$0x1] =	stream.indirect_vreg.gather [hbm4b:s13+s2], $0x80, v2, vm0, $0xb8;
	[tilespmem:$0x6880] =	vst v63  }
0x62: {  	_ = 	snop  }
0x63: {  	[tilespmem:s30], [sflag:$0x1] =	stream.indirect_vreg.gather [hbm4b:s14+s2], $0x80, v2, vm0, $0xb8;
	[tilespmem:$0x6880] =	vst v63  }
0x64: {  	_ = 	snop  }
0x65: {  	[tilespmem:s31], [sflag:$0x1] =	stream.indirect_vreg.gather [hbm4b:s15+s2], $0x80, v2, vm0, $0xb8;
	[tilespmem:$0x6880] =	vst v63  }
0x66: {  	_ = 	snop  }
0x67: {  	[tilespmem:s1], [sflag:$0x1] =	stream.indirect_vreg.gather [hbm4b:s16+s2], $0x80, v2, vm0, $0xb8;
	[tilespmem:$0x6880] =	vst v63  }
0x68: {  	_ = 	snop  }
0x69: {  	[tilespmem:s0], [sflag:$0x1] =	stream.indirect_vreg.gather [hbm4b:s17+s2], $0x80, v2, vm0, $0xb8;
	[tilespmem:$0x6880] =	vst v63  }
0x6a: {  	_ =	swait.ge [sflag:s4], $0x6800  }
0x6b: {  	[sflag:s4] =	ssyncset.done $0x0  }
0x6c: {  	s12 =	rddreg [dreg:$0x4];
	[sflag:s4] =	ssyncadd.s32 $0xFFFF9800  }
0x6d: {  	[hbm4b:s12+s2] =	stream.linear.scatter [tilespmem:s20], [sflag:$0x2], $0x6800, $0x38;
	[tilespmem:$0x6880] =	vst v63  }
0x6e: {  	_ =	swait.ge [sflag:s19], $0x6800  }
0x6f: {  	[sflag:s19] =	ssyncset.done $0x0  }
0x70: {  	s12 =	rddreg [dreg:$0x5];
	[sflag:s19] =	ssyncadd.s32 $0xFFFF9800  }
0x71: {  	[tilespmem:s2], [sflag:$0x2] =	stream.linear.gather [hbm4b:s12+s2], $0x8, $0x38;
	[tilespmem:$0x6880] =	vst v63  }
0x72: {  	_ =	swait.ge [sflag:s19], $0x8  }
0x73: {  	[sflag:s19] =	ssyncset.done $0x0  }
0x74: {  	[sflag:s19] =	ssyncadd.s32 $0xFFFFFFF8  }
0x75: {  	v2 =	vld.msk [tilespmem:$0x0], $0xff;
	_ =	sdelay $0x4  }
0x76: {  	v3 =	vshrl.u32 v2, $0x3  }
0x77: {  	v3 =	vmul.u32 $0xD0, v3  }
0x78: {  	v2 =	vand.u32 $0x7, v2  }
0x79: {  	v2 =	vor.u32 v2, v3  }
0x7a: {  	v2 =	vperm.xlane v2, v0;
	_ =	sdelay $0x1  }
0x7b: {  	v2 =	vadd.s32 v1, v2;
	_ =	sdelay $0x4  }
0x7c: {  	[tilespmem:s20], [sflag:$0x1] =	stream.indirect_vreg.gather [hbm4b:s3+s2], $0x80, v2, vm0, $0xb8;
	[tilespmem:$0x6880] =	vst v63  }
0x7d: {  	_ = 	snop  }
0x7e: {  	[tilespmem:s21], [sflag:$0x1] =	stream.indirect_vreg.gather [hbm4b:s5+s2], $0x80, v2, vm0, $0xb8;
	[tilespmem:$0x6880] =	vst v63  }
0x7f: {  	_ = 	snop  }
0x80: {  	[tilespmem:s22], [sflag:$0x1] =	stream.indirect_vreg.gather [hbm4b:s6+s2], $0x80, v2, vm0, $0xb8;
	[tilespmem:$0x6880] =	vst v63  }
0x81: {  	_ = 	snop  }
0x82: {  	[tilespmem:s23], [sflag:$0x1] =	stream.indirect_vreg.gather [hbm4b:s7+s2], $0x80, v2, vm0, $0xb8;
	[tilespmem:$0x6880] =	vst v63  }
0x83: {  	_ = 	snop  }
0x84: {  	[tilespmem:s24], [sflag:$0x1] =	stream.indirect_vreg.gather [hbm4b:s8+s2], $0x80, v2, vm0, $0xb8;
	[tilespmem:$0x6880] =	vst v63  }
0x85: {  	_ = 	snop  }
0x86: {  	[tilespmem:s25], [sflag:$0x1] =	stream.indirect_vreg.gather [hbm4b:s9+s2], $0x80, v2, vm0, $0xb8;
	[tilespmem:$0x6880] =	vst v63  }
0x87: {  	_ = 	snop  }
0x88: {  	[tilespmem:s26], [sflag:$0x1] =	stream.indirect_vreg.gather [hbm4b:s10+s2], $0x80, v2, vm0, $0xb8;
	[tilespmem:$0x6880] =	vst v63  }
0x89: {  	_ = 	snop  }
0x8a: {  	[tilespmem:s28], [sflag:$0x1] =	stream.indirect_vreg.gather [hbm4b:s11+s2], $0x80, v2, vm0, $0xb8;
	[tilespmem:$0x6880] =	vst v63  }
0x8b: {  	_ = 	snop  }
0x8c: {  	[tilespmem:s29], [sflag:$0x1] =	stream.indirect_vreg.gather [hbm4b:s13+s2], $0x80, v2, vm0, $0xb8;
	[tilespmem:$0x6880] =	vst v63  }
0x8d: {  	_ = 	snop  }
0x8e: {  	[tilespmem:s30], [sflag:$0x1] =	stream.indirect_vreg.gather [hbm4b:s14+s2], $0x80, v2, vm0, $0xb8;
	[tilespmem:$0x6880] =	vst v63  }
0x8f: {  	_ = 	snop  }
0x90: {  	[tilespmem:s31], [sflag:$0x1] =	stream.indirect_vreg.gather [hbm4b:s15+s2], $0x80, v2, vm0, $0xb8;
	[tilespmem:$0x6880] =	vst v63  }
0x91: {  	_ = 	snop  }
0x92: {  	[tilespmem:s1], [sflag:$0x1] =	stream.indirect_vreg.gather [hbm4b:s16+s2], $0x80, v2, vm0, $0xb8;
	[tilespmem:$0x6880] =	vst v63  }
0x93: {  	_ = 	snop  }
0x94: {  	[tilespmem:s0], [sflag:$0x1] =	stream.indirect_vreg.gather [hbm4b:s17+s2], $0x80, v2, vm0, $0xb8;
	[tilespmem:$0x6880] =	vst v63  }
0x95: {  	_ =	swait.ge [sflag:s4], $0x6800  }
0x96: {  	[sflag:s4] =	ssyncset.done $0x0  }
0x97: {  	s12 =	rddreg [dreg:$0x6];
	[sflag:s4] =	ssyncadd.s32 $0xFFFF9800  }
0x98: {  	[hbm4b:s12+s2] =	stream.linear.scatter [tilespmem:s20], [sflag:$0x2], $0x6800, $0x38;
	[tilespmem:$0x6880] =	vst v63  }
0x99: {  	_ =	swait.ge [sflag:s19], $0x6800  }
0x9a: {  	[sflag:s19] =	ssyncset.done $0x0  }
0x9b: {  	s12 =	rddreg [dreg:$0x7];
	[sflag:s19] =	ssyncadd.s32 $0xFFFF9800  }
0x9c: {  	[tilespmem:s2], [sflag:$0x2] =	stream.linear.gather [hbm4b:s12+s2], $0x8, $0x38;
	[tilespmem:$0x6880] =	vst v63  }
0x9d: {  	_ =	swait.ge [sflag:s19], $0x8  }
0x9e: {  	[sflag:s19] =	ssyncset.done $0x0  }
0x9f: {  	[sflag:s19] =	ssyncadd.s32 $0xFFFFFFF8  }
0xa0: {  	v2 =	vld.msk [tilespmem:$0x0], $0xff;
	_ =	sdelay $0x4  }
0xa1: {  	v3 =	vshrl.u32 v2, $0x3  }
0xa2: {  	v3 =	vmul.u32 $0xD0, v3  }
0xa3: {  	v2 =	vand.u32 $0x7, v2  }
0xa4: {  	v2 =	vor.u32 v2, v3  }
0xa5: {  	v2 =	vperm.xlane v2, v0;
	_ =	sdelay $0x1  }
0xa6: {  	v2 =	vadd.s32 v1, v2;
	_ =	sdelay $0x4  }
0xa7: {  	[tilespmem:s20], [sflag:$0x1] =	stream.indirect_vreg.gather [hbm4b:s3+s2], $0x80, v2, vm0, $0xb8;
	[tilespmem:$0x6880] =	vst v63  }
0xa8: {  	_ = 	snop  }
0xa9: {  	[tilespmem:s21], [sflag:$0x1] =	stream.indirect_vreg.gather [hbm4b:s5+s2], $0x80, v2, vm0, $0xb8;
	[tilespmem:$0x6880] =	vst v63  }
0xaa: {  	_ = 	snop  }
0xab: {  	[tilespmem:s22], [sflag:$0x1] =	stream.indirect_vreg.gather [hbm4b:s6+s2], $0x80, v2, vm0, $0xb8;
	[tilespmem:$0x6880] =	vst v63  }
0xac: {  	_ = 	snop  }
0xad: {  	[tilespmem:s23], [sflag:$0x1] =	stream.indirect_vreg.gather [hbm4b:s7+s2], $0x80, v2, vm0, $0xb8;
	[tilespmem:$0x6880] =	vst v63  }
0xae: {  	_ = 	snop  }
0xaf: {  	[tilespmem:s24], [sflag:$0x1] =	stream.indirect_vreg.gather [hbm4b:s8+s2], $0x80, v2, vm0, $0xb8;
	[tilespmem:$0x6880] =	vst v63  }
0xb0: {  	_ = 	snop  }
0xb1: {  	[tilespmem:s25], [sflag:$0x1] =	stream.indirect_vreg.gather [hbm4b:s9+s2], $0x80, v2, vm0, $0xb8;
	[tilespmem:$0x6880] =	vst v63  }
0xb2: {  	_ = 	snop  }
0xb3: {  	[tilespmem:s26], [sflag:$0x1] =	stream.indirect_vreg.gather [hbm4b:s10+s2], $0x80, v2, vm0, $0xb8;
	[tilespmem:$0x6880] =	vst v63  }
0xb4: {  	_ = 	snop  }
0xb5: {  	[tilespmem:s28], [sflag:$0x1] =	stream.indirect_vreg.gather [hbm4b:s11+s2], $0x80, v2, vm0, $0xb8;
	[tilespmem:$0x6880] =	vst v63  }
0xb6: {  	_ = 	snop  }
0xb7: {  	[tilespmem:s29], [sflag:$0x1] =	stream.indirect_vreg.gather [hbm4b:s13+s2], $0x80, v2, vm0, $0xb8;
	[tilespmem:$0x6880] =	vst v63  }
0xb8: {  	_ = 	snop  }
0xb9: {  	[tilespmem:s30], [sflag:$0x1] =	stream.indirect_vreg.gather [hbm4b:s14+s2], $0x80, v2, vm0, $0xb8;
	[tilespmem:$0x6880] =	vst v63  }
0xba: {  	_ = 	snop  }
0xbb: {  	[tilespmem:s31], [sflag:$0x1] =	stream.indirect_vreg.gather [hbm4b:s15+s2], $0x80, v2, vm0, $0xb8;
	[tilespmem:$0x6880] =	vst v63  }
0xbc: {  	_ = 	snop  }
0xbd: {  	[tilespmem:s1], [sflag:$0x1] =	stream.indirect_vreg.gather [hbm4b:s16+s2], $0x80, v2, vm0, $0xb8;
	[tilespmem:$0x6880] =	vst v63  }
0xbe: {  	_ = 	snop  }
0xbf: {  	[tilespmem:s0], [sflag:$0x1] =	stream.indirect_vreg.gather [hbm4b:s17+s2], $0x80, v2, vm0, $0xb8;
	[tilespmem:$0x6880] =	vst v63  }
0xc0: {  	_ =	swait.ge [sflag:s4], $0x6800  }
0xc1: {  	[sflag:s4] =	ssyncset.done $0x0  }
0xc2: {  	s12 =	rddreg [dreg:$0x8];
	[sflag:s4] =	ssyncadd.s32 $0xFFFF9800  }
0xc3: {  	[hbm4b:s12+s2] =	stream.linear.scatter [tilespmem:s20], [sflag:$0x2], $0x6800, $0x38;
	[tilespmem:$0x6880] =	vst v63  }
0xc4: {  	_ =	swait.ge [sflag:s19], $0x6800  }
0xc5: {  	[sflag:s19] =	ssyncset.done $0x0  }
0xc6: {  	s12 =	rddreg [dreg:$0x9];
	[sflag:s19] =	ssyncadd.s32 $0xFFFF9800  }
0xc7: {  	[tilespmem:s2], [sflag:$0x2] =	stream.linear.gather [hbm4b:s12+s2], $0x8, $0x38;
	[tilespmem:$0x6880] =	vst v63  }
0xc8: {  	_ =	swait.ge [sflag:s19], $0x8  }
0xc9: {  	[sflag:s19] =	ssyncset.done $0x0  }
0xca: {  	[sflag:s19] =	ssyncadd.s32 $0xFFFFFFF8  }
0xcb: {  	v2 =	vld.msk [tilespmem:$0x0], $0xff;
	_ =	sdelay $0x4  }
0xcc: {  	v3 =	vshrl.u32 v2, $0x3  }
0xcd: {  	v3 =	vmul.u32 $0xD0, v3  }
0xce: {  	v2 =	vand.u32 $0x7, v2  }
0xcf: {  	v2 =	vor.u32 v2, v3  }
0xd0: {  	v2 =	vperm.xlane v2, v0;
	_ =	sdelay $0x1  }
0xd1: {  	v2 =	vadd.s32 v1, v2;
	_ =	sdelay $0x4  }
0xd2: {  	[tilespmem:s20], [sflag:$0x1] =	stream.indirect_vreg.gather [hbm4b:s3+s2], $0x80, v2, vm0, $0xb8;
	[tilespmem:$0x6880] =	vst v63  }
0xd3: {  	_ = 	snop  }
0xd4: {  	[tilespmem:s21], [sflag:$0x1] =	stream.indirect_vreg.gather [hbm4b:s5+s2], $0x80, v2, vm0, $0xb8;
	[tilespmem:$0x6880] =	vst v63  }
0xd5: {  	_ = 	snop  }
0xd6: {  	[tilespmem:s22], [sflag:$0x1] =	stream.indirect_vreg.gather [hbm4b:s6+s2], $0x80, v2, vm0, $0xb8;
	[tilespmem:$0x6880] =	vst v63  }
0xd7: {  	_ = 	snop  }
0xd8: {  	[tilespmem:s23], [sflag:$0x1] =	stream.indirect_vreg.gather [hbm4b:s7+s2], $0x80, v2, vm0, $0xb8;
	[tilespmem:$0x6880] =	vst v63  }
0xd9: {  	_ = 	snop  }
0xda: {  	[tilespmem:s24], [sflag:$0x1] =	stream.indirect_vreg.gather [hbm4b:s8+s2], $0x80, v2, vm0, $0xb8;
	[tilespmem:$0x6880] =	vst v63  }
0xdb: {  	_ = 	snop  }
0xdc: {  	[tilespmem:s25], [sflag:$0x1] =	stream.indirect_vreg.gather [hbm4b:s9+s2], $0x80, v2, vm0, $0xb8;
	[tilespmem:$0x6880] =	vst v63  }
0xdd: {  	_ = 	snop  }
0xde: {  	[tilespmem:s26], [sflag:$0x1] =	stream.indirect_vreg.gather [hbm4b:s10+s2], $0x80, v2, vm0, $0xb8;
	[tilespmem:$0x6880] =	vst v63  }
0xdf: {  	_ = 	snop  }
0xe0: {  	[tilespmem:s28], [sflag:$0x1] =	stream.indirect_vreg.gather [hbm4b:s11+s2], $0x80, v2, vm0, $0xb8;
	[tilespmem:$0x6880] =	vst v63  }
0xe1: {  	_ = 	snop  }
0xe2: {  	[tilespmem:s29], [sflag:$0x1] =	stream.indirect_vreg.gather [hbm4b:s13+s2], $0x80, v2, vm0, $0xb8;
	[tilespmem:$0x6880] =	vst v63  }
0xe3: {  	_ = 	snop  }
0xe4: {  	[tilespmem:s30], [sflag:$0x1] =	stream.indirect_vreg.gather [hbm4b:s14+s2], $0x80, v2, vm0, $0xb8;
	[tilespmem:$0x6880] =	vst v63  }
0xe5: {  	_ = 	snop  }
0xe6: {  	[tilespmem:s31], [sflag:$0x1] =	stream.indirect_vreg.gather [hbm4b:s15+s2], $0x80, v2, vm0, $0xb8;
	[tilespmem:$0x6880] =	vst v63  }
0xe7: {  	_ = 	snop  }
0xe8: {  	[tilespmem:s1], [sflag:$0x1] =	stream.indirect_vreg.gather [hbm4b:s16+s2], $0x80, v2, vm0, $0xb8;
	[tilespmem:$0x6880] =	vst v63  }
0xe9: {  	_ = 	snop  }
0xea: {  	[tilespmem:s0], [sflag:$0x1] =	stream.indirect_vreg.gather [hbm4b:s17+s2], $0x80, v2, vm0, $0xb8;
	[tilespmem:$0x6880] =	vst v63  }
0xeb: {  	_ =	swait.ge [sflag:s4], $0x6800  }
0xec: {  	p0 =	sne.s32 s18, $0x1;
	[sflag:s4] =	ssyncset.done $0x0  }
.Ltmp0:
0xed: {  	s12 =	rddreg [dreg:$0xa];
	[sflag:s4] =	ssyncadd.s32 $0xFFFF9800;
	(pc) =	sbr.rel @p0 .LBB2_1-.Ltmp0, $4  }
0xee: {  	[hbm4b:s12+s2] =	stream.linear.scatter [tilespmem:s20], [sflag:$0x2], $0x6800, $0x38;
	[tilespmem:$0x6880] =	vst v63  }
0xef: {  	_ =	swait.ge [sflag:s19], $0x6800  }
0xf0: {  	[sflag:s19] =	ssyncset.done $0x0  }
0xf1: {  	s18 =	sadd.s32 $0xFFFFFFFF, s18;
	[sflag:s19] =	ssyncadd.s32 $0xFFFF9800  }
0xf2: {  	_ =	sfence.sel $0x180000  }
0xf3: {  	[bflag:$0x0] =	sbarrier.arrive $0xFFFF  }
0xf4: {  	_ =	strace $0x90000047  }
0xf5: {  	s0 =	stileid.u32;
	[bflag:$0x2] =	sbarrier.arrive $0xFFFF  }
0xf6: {  	p0 =	sne.s32 s0, $0x0;
	s0 =	rddreg [dreg:$0x2]  }
0xf7: {  	s0 =	sadd.s32 @!p0 $0x100000, s0  }
0xf8: {  	[sflag:s0] =	ssyncadd.tile.s32 @!p0 $0x1;
	_ =	shalt  }
.Lfunc_end2:
_tile_overlayer_lowered:
.L_overlay_start_2:
0xf9: {  	(tag) =	ssettag $0x2  }
0xfa: {  	s0 =	rddreg [dreg:$0x0];
	s2 =	stileid.u32  }
0xfb: {  	s1 =	rddreg [dreg:$0x1];
	p0 =	sne.s32 s2, $0x0  }
0xfc: {  	s3 =	rddreg [dreg:$0x2];
	[bflag:$0x3] =	sbarrier.arrive $0xFFFF;
	s2 =	simm.s32 @!p0 $0x1C02  }
0xfd: {  	[timem:s3], [sflag:s2] =	dma.local @!p0 [hbm:s0], s1  }
0xfe: {  	s0 =	simm.s32 @!p0 $0x2  }
0xff: {  	_ =	swait.ge @!p0 [sflag:s0], s1  }
0x100: {  	s1 =	ssub.s32 @!p0 $0x0, s1;
	[sflag:s0] =	ssyncset.done @!p0 $0x0  }
0x101: {  	[sflag:s0] =	ssyncadd.s32 @!p0 s1  }
0x102: {  	[bflag:$0x3] =	sbarrier.arrive $0xFFFF  }
0x103: {  	_ =	shalt  }

// kernel: kernel.9.cloned.1.call-start
scs
__scs_entry_jumppad:
0x0: {  	(pc) =	sbr.rel $0x88, $3  }
0x1: {  	(tag) =	ssettag $0x0;
	lr =	simm.s32 $0x1  }
0x2: {  	[smem:$0x3F98] =	sst lr;
	_ =	strace $0xD0000000  }
0x3: {  	_ = 	snop  }
0x4: {  	_ = 	snop  }
0x5: {  	_ = 	snop  }
0x6: {  	_ = 	snop  }
0x7: {  	_ = 	snop  }
__scs_overlays_trampoline_lowered:
0x8: {  	[smem:$0x3FA7] =	sst s0  }
0x9: {  	[smem:$0x3FA8] =	sst s1  }
0xa: {  	[smem:$0x3FA9] =	sst s2  }
0xb: {  	[smem:$0x3FAA] =	sst s3  }
0xc: {  	[smem:$0x3FAB] =	sst s4  }
0xd: {  	[smem:$0x3FAC] =	sst s5  }
0xe: {  	[smem:$0x3FAD] =	sst s6  }
0xf: {  	[smem:$0x3FAE] =	sst s7  }
0x10: {  	[smem:$0x3FAF] =	sst s8  }
0x11: {  	[smem:$0x3FB0] =	sst s9;
	s0 =	simm.s32 @!p0 $0x0  }
0x12: {  	s1 =	sld [smem:$0x3F96];
	s0 =	simm.s32 @p0 $0x1  }
0x13: {  	[smem:$0x3FB1] =	sst s0;
	s0 =	simm.s32 @!p1 $0x0  }
0x14: {  	s2 =	sld [smem:$0x3F95];
	s0 =	simm.s32 @p1 $0x1  }
0x15: {  	[smem:$0x3FB2] =	sst s0;
	s0 =	simm.s32 @!p2 $0x0  }
0x16: {  	s3 =	sld [smem:$0x3FDB];
	s0 =	simm.s32 @p2 $0x1  }
0x17: {  	s4 =	simm.s32 $0x1BF5;
	[smem:$0x3FB4] =	sst s0  }
0x18: {  	s0 =	sld [smem:$0x3F97];
	_ =	swait.ge [sflag:s4], $0x0  }
0x19: {  	s7 =	sld [smem:$0x3F98]  }
0x1a: {  	s8 =	sadd.s32 $0xFFFFE003, lr  }
0x1b: {  	s9 =	sadd.s32 $0xFFFFFEF7, lr;
	s5 =	simm.s32 $0xFFFFFFFF;
	p2 =	slt.u32 s8, $0xFFFFF086  }
0x1c: {  	p1 =	slt.u32 s9, $0xF7A;
	s5 =	simm.s32 @!p2 $0x0  }
0x1d: {  	s5 =	simm.s32 @p1 $0x1;
	p0 =	seq.s32 s7, s2  }
0x1e: {  	s7 =	smul.u32 @!p0 $0xF7A, s2;
	p2 =	seq.s32 @!p0 s5, $0x0  }
0x1f: {  	s9 =	smul.u32 $0xF7A, s1;
	s8 =	simm.s32 @!p0 $0x1BF5;
	p2 =	por !p2, p0  }
0x20: {  	[sflag:s8] =	ssyncset.s32 @!p0 $0xFFFFF086;
	s6 =	sadd.s32 @!p0 s3, s7;
	s7 =	simm.s32 @!p0 $0x108  }
0x21: {  	s3 =	sadd.s32 s3, s9;
	s6 =	sadd.s32 @!p0 $0x88, s6;
	s7 =	simm.s32 @p2 $0x1082  }
0x22: {  	[simem:s7], [sflag:s8] =	dma.local @!p0 [hbm:s6], $0xF7A  }
0x23: {  	s9 =	sor.u32 $0xD0000000, s2;
	s6 =	simm.s32 $0x108;
	_ =	swait.ge @!p0 [sflag:s8], $0x0  }
0x24: {  	s3 =	sadd.s32 $0x88, s3;
	s6 =	simm.s32 @!p1 $0x1082;
	[sflag:s4] =	ssyncset.s32 $0xFFFFF086  }
0x25: {  	[simem:s6], [sflag:s4] =	dma.local [hbm:s3], $0xF7A  }
0x26: {  	[smem:$0x3F98] =	sst s1;
	(tag) =	ssettag s2;
	_ =	strace s9  }
0x27: {  	s1 =	sld [smem:$0x3FA8]  }
0x28: {  	s2 =	sld [smem:$0x3FA9]  }
0x29: {  	s4 =	sld [smem:$0x3FAB]  }
0x2a: {  	p0 =	seq.s32 s5, $0x0;
	s5 =	sld [smem:$0x3FAC]  }
0x2b: {  	s6 =	sld [smem:$0x3FAD]  }
0x2c: {  	s7 =	sld [smem:$0x3FAE]  }
0x2d: {  	s3 =	simm.s32 $0x108;
	s8 =	sld [smem:$0x3FAF]  }
0x2e: {  	s3 =	simm.s32 @!p0 $0x1082;
	s9 =	sld [smem:$0x3FB0]  }
0x2f: {  	lr =	sadd.s32 s0, s3;
	s0 =	sld [smem:$0x3FA7]  }
0x30: {  	s3 =	sld [smem:$0x3FAA]  }
0x31: {  	[smem:$0x3FB3] =	sst s10  }
0x32: {  	s10 =	sld [smem:$0x3FB1];
	_ =	sdelay $0x3  }
0x33: {  	p0 =	seq.s32 s10, $0x1;
	s10 =	sld [smem:$0x3FB3];
	_ =	sdelay $0x3  }
0x34: {  	[smem:$0x3FB3] =	sst s10  }
0x35: {  	s10 =	sld [smem:$0x3FB2];
	_ =	sdelay $0x3  }
0x36: {  	p1 =	seq.s32 s10, $0x1;
	s10 =	sld [smem:$0x3FB3];
	_ =	sdelay $0x3  }
0x37: {  	[smem:$0x3FB3] =	sst s10  }
0x38: {  	s10 =	sld [smem:$0x3FB4]  }
0x39: {  	_ = 	snop;
	(pc) =	sbr.ind lr, $3  }
0x3a: {  	_ = 	snop  }
0x3b: {  	_ = 	snop  }
0x3c: {  	p2 =	seq.s32 s10, $0x1;
	s10 =	sld [smem:$0x3FB3]  }
0x3d: {  	_ =	shalt  }
0x3e: {  	_ =	shalt  }
0x3f: {  	_ =	shalt  }
0x40: {  	_ =	shalt  }
0x41: {  	_ =	shalt  }
0x42: {  	_ =	shalt  }
0x43: {  	_ =	shalt  }
0x44: {  	_ =	shalt  }
0x45: {  	_ =	shalt  }
0x46: {  	_ =	shalt  }
0x47: {  	_ =	shalt  }
0x48: {  	_ =	shalt  }
0x49: {  	_ =	shalt  }
0x4a: {  	_ =	shalt  }
0x4b: {  	_ =	shalt  }
0x4c: {  	_ =	shalt  }
0x4d: {  	_ =	shalt  }
0x4e: {  	_ =	shalt  }
0x4f: {  	_ =	shalt  }
0x50: {  	_ =	shalt  }
0x51: {  	_ =	shalt  }
0x52: {  	_ =	shalt  }
0x53: {  	_ =	shalt  }
0x54: {  	_ =	shalt  }
0x55: {  	_ =	shalt  }
0x56: {  	_ =	shalt  }
0x57: {  	_ =	shalt  }
0x58: {  	_ =	shalt  }
0x59: {  	_ =	shalt  }
0x5a: {  	_ =	shalt  }
0x5b: {  	_ =	shalt  }
0x5c: {  	_ =	shalt  }
0x5d: {  	_ =	shalt  }
0x5e: {  	_ =	shalt  }
0x5f: {  	_ =	shalt  }
0x60: {  	_ =	shalt  }
0x61: {  	_ =	shalt  }
0x62: {  	_ =	shalt  }
0x63: {  	_ =	shalt  }
0x64: {  	_ =	shalt  }
0x65: {  	_ =	shalt  }
0x66: {  	_ =	shalt  }
0x67: {  	_ =	shalt  }
0x68: {  	_ =	shalt  }
0x69: {  	_ =	shalt  }
0x6a: {  	_ =	shalt  }
0x6b: {  	_ =	shalt  }
0x6c: {  	_ =	shalt  }
0x6d: {  	_ =	shalt  }
0x6e: {  	_ =	shalt  }
0x6f: {  	_ =	shalt  }
0x70: {  	_ =	shalt  }
0x71: {  	_ =	shalt  }
0x72: {  	_ =	shalt  }
0x73: {  	_ =	shalt  }
0x74: {  	_ =	shalt  }
0x75: {  	_ =	shalt  }
0x76: {  	_ =	shalt  }
0x77: {  	_ =	shalt  }
0x78: {  	_ =	shalt  }
0x79: {  	_ =	shalt  }
0x7a: {  	_ =	shalt  }
0x7b: {  	_ =	shalt  }
0x7c: {  	_ =	shalt  }
0x7d: {  	_ =	shalt  }
0x7e: {  	_ =	shalt  }
0x7f: {  	_ =	shalt  }
0x80: {  	_ =	shalt  }
0x81: {  	_ =	shalt  }
0x82: {  	_ =	shalt  }
0x83: {  	_ =	shalt  }
0x84: {  	_ =	shalt  }
0x85: {  	_ =	shalt  }
0x86: {  	_ =	shalt  }
0x87: {  	_ =	shalt  }
.Lfunc_end0:
.L_simem_size_0:
called_computation.1_lowered:
.L_overlay_start_0:
0x88: {  	s2 =	sld [smem:$0x3FD9]  }
0x89: {  	s3 =	sld [smem:$0x3FFE];
	_ =	sdelay $0x1  }
0x8a: {  	s1 =	srdreg.scid  }
0x8b: {  	s0 =	sand.u32 $0x1, s1  }
0x8c: {  	s14 =	sshll.u32 s0, $0xA;
	s2 =	sadd.s32 s3, s2  }
0x8d: {  	s2 =	sadd.s32 s2, s14  }
0x8e: {  	[smem:$0x3FBF] =	sst s2  }
0x8f: {  	_ = 	snop  }
0x90: {  	s2 =	sld [smem:$0x3FD0];
	_ =	sdelay $0x2  }
0x91: {  	s15 =	simm.s32 $0xA;
	s4 =	simm.s32 $0x10  }
0x92: {  	[smem:s4], [sflag:s15] =	dma.local [hbm:s2], $0x1  }
0x93: {  	_ =	swait.eq [sflag:s15], $0x1  }
0x94: {  	[sflag:s15] =	ssyncset.done $0x0  }
0x95: {  	[sflag:s15] =	ssyncadd.s32 $0xFFFFFFFF  }
0x96: {  	s16 =	sld [smem:$0x10];
	(tm) =	ssettm $0x1  }
0x97: {  	s17 =	sld [smem:$0x3FFB];
	_ =	sdelay $0x3  }
0x98: {  	_ =	strace s17  }
0x99: {  	s3 =	sld [smem:$0x3FFC];
	_ =	sdelay $0x3  }
0x9a: {  	_ =	strace s3  }
0x9b: {  	s3 =	sld [smem:$0x3FFD];
	_ =	sdelay $0x3  }
0x9c: {  	_ =	strace s3  }
0x9d: {  	_ =	strace $0x8FFFFFFF  }
0x9e: {  	s18 =	sld [smem:$0x3FDB];
	_ =	sdelay $0x1  }
0x9f: {  	s19 =	simm.s32 $_scs_section_size  }
0xa0: {  	s5 =	simm.s32 $_size__tile_overlayer_lowered;
	s6 =	simm.s32 $_tile_overlayer_lowered  }
0xa1: {  	s22 =	simm.s32 $0x1BFF;
	s21 =	sshll.u32 s6, $0x1;
	s3 =	sadd.s32 s19, s18  }
0xa2: {  	s7 =	simm.s32 $0x0;
	s20 =	sshll.u32 s5, $0x1;
	s5 =	sadd.s32 s21, s3  }
0xa3: {  	[timem:s7], [sflag:s22] =	dma.local [hbm:s5], s20  }
0xa4: {  	_ =	swait.ge [sflag:s22], s20  }
0xa5: {  	s4 =	ssub.s32 $0x0, s20;
	[sflag:s22] =	ssyncset.done $0x0  }
0xa6: {  	[sflag:s22] =	ssyncadd.s32 s4;
	_ =	sdelay $0x1  }
0xa7: {  	s23 =	simm.s32 $0x1B8B  }
0xa8: {  	_ =	swait.ge [sflag:s23], $0x1  }
0xa9: {  	[sflag:s23] =	ssyncset.done $0x0  }
0xaa: {  	s25 =	simm.s32 $0x1B8E;
	s24 =	sld [smem:$0x3FFE];
	[sflag:s23] =	ssyncadd.s32 $0xFFFFFFFF  }
0xab: {  	s26 =	simm.s32 $execute0_lowered;
	[smem:$0x3FD2] =	sst s25  }
0xac: {  	s5 =	sshll.u32 s26, $0x1;
	_ =	strace $0x80000049;
	[dreg:$0x1] =	wrdreg $0xFFFFFFFF  }
0xad: {  	s28 =	simm.s32 $_size_execute0_lowered;
	s3 =	sadd.s32 s3, s5;
	[dreg:$0x0] =	wrdreg $0x0  }
0xae: {  	s5 =	sshll.u32 s28, $0x1;
	[dreg:$0x2] =	wrdreg s3  }
0xaf: {  	[dreg:$0x3] =	wrdreg s5  }
0xb0: {  	[dreg:$0x4] =	wrdreg $0xC0  }
0xb1: {  	_ =	task [dreg:s7], $0x5FFFF  }
0xb2: {  	[dreg:$0x1] =	wrdreg $0xFFFFFFFF  }
0xb3: {  	[dreg:$0x0] =	wrdreg $0x60  }
0xb4: {  	[dreg:$0x2] =	wrdreg s24  }
0xb5: {  	[dreg:$0x3] =	wrdreg s16  }
0xb6: {  	[dreg:$0x4] =	wrdreg $0x9  }
0xb7: {  	_ =	task.clear_ibuf [dreg:s7], $0x5FFFF;
	_ =	strace $0x90000049  }
0xb8: {  	s29 =	simm.s32 $0x9;
	_ =	strace $0x8000004B  }
0xb9: {  	_ =	swait.ge [sflag:s29], $0x1  }
0xba: {  	[sflag:s29] =	ssyncadd.s32 $0xFFFFFFFF  }
0xbb: {  	_ =	strace $0x9000004B  }
0xbc: {  	_ =	sfence  }
0xbd: {  	s30 =	sld [smem:$0x0];
	_ =	sdelay $0x2  }
0xbe: {  	s31 =	sshll.u32 s1, $0xD;
	s1 =	sshrl.u32 s1, $0x2  }
0xbf: {  	s3 =	sand.u32 $0x4000, s31;
	s1 =	sadd.s32 s1, s30  }
0xc0: {  	s0 =	sor.u32 s3, s0;
	s1 =	sshll.u32 s1, $0x11  }
0xc1: {  	s0 =	sor.u32 s1, s0  }
0xc2: {  	s0 =	sadd.s32 $0x8F2B, s0  }
0xc3: {  	[sflag:s0] =	ssyncadd.remote.s32 $0x1  }
0xc4: {  	_ =	sfence.sel $0xFFFF  }
0xc5: {  	[dreg:$0x0] =	wrdreg $0xFFFFFFFF;
	(pc) =	sbr.abs _section_cstart, $3  }
0xc6: {  	[dreg:$0x1] =	wrdreg $0xFFFFFFFF  }
0xc7: {  	_ =	task.clear_ibuf [dreg:s7], $0x2FFFF;
	_ =	strace $0x9FFFFFFF  }
0xc8: {  	(tm) =	ssettm $0x7FFFFFFF  }
0xc9: {  	_ =	shalt  }
tec
execute0_lowered:
.L_overlay_start_1:
0x0: {  	(tag) =	ssettag $0x1  }
0x1: {  	s7 =	rddreg [dreg:$0x0]  }
0x2: {  	s4 =	rddreg [dreg:$0x1]  }
0x3: {  	s0 =	rddreg [dreg:$0x2];
	s3 =	srdreg.scid  }
0x4: {  	s2 =	simm.s32 $0x0;
	s1 =	stileid.u32;
	s10 =	simm.s32 $0x2  }
0x5: {  	s11 =	simm.s32 $0x80;
	s12 =	simm.s32 $0x880;
	s13 =	simm.s32 $0x1080  }
0x6: {  	s14 =	simm.s32 $0x1880;
	s15 =	simm.s32 $0x2080;
	s16 =	simm.s32 $0x2880  }
0x7: {  	s17 =	simm.s32 $0x3080;
	s18 =	simm.s32 $0x3880;
	s19 =	simm.s32 $0x4080  }
0x8: {  	s20 =	simm.s32 $0x4880;
	s21 =	simm.s32 $0x5080;
	s22 =	simm.s32 $0x5880  }
0x9: {  	s23 =	simm.s32 $0x6080;
	s24 =	simm.s32 $0x6880;
	s25 =	simm.s32 $0x7080  }
0xa: {  	s26 =	simm.s32 $0x7880;
	s28 =	simm.s32 $0x1;
	s3 =	sand.u32 $0x1, s3  }
0xb: {  	[smem:$0x7FF] =	sst s2;
	s5 =	sshll.u32 s1, $0x6;
	s6 =	sshll.u32 s3, $0x5  }
0xc: {  	_ =	strace $0x8000004A;
	s31 =	ssub.s32 $0x2, s3;
	s3 =	sadd.s32 $0xC00, s7  }
0xd: {  	s5 =	sor.u32 s6, s5;
	s9 =	sshrl.u32 s31, $0x1;
	s6 =	sadd.s32 $0xE00, s7  }
0xe: {  	v2 =	vlaneseq.u32;
	s8 =	sshll.u32 s5, $0x7;
	s9 =	ssub.s32 s31, s9;
	s5 =	sshrl.u32 s5, $0x3  }
0xf: {  	vm0 =	vmmov $0xffff;
	v1 =	vshrl.u32 v2, $0x3;
	s8 =	sadd.s32 s8, s7;
	s4 =	sadd.s32 s4, s5;
	s5 =	sadd.s32 $0xD00, s7  }
0x10: {  	v0 =	vand.u32 $0x7, v2;
	v2 =	vor.u32 $0x8, v2;
	v1 =	vmul.u32 $0x8, v1;
	s7 =	sadd.s32 $0xF00, s7;
	s9 =	smax.u32 s9, $0x1;
	s8 =	sadd.s32 $0x28C00, s8  }
.LBB2_1:
0x11: {  	[tilespmem:s2], [sflag:$0x2] =	stream.linear.gather [hbm4b:s4+s2], $0x20, $0x38;
	[tilespmem:$0x8080] =	vst v63  }
0x12: {  	_ =	swait.ge [sflag:s10], $0x20  }
0x13: {  	[sflag:s10] =	ssyncset.done $0x0  }
0x14: {  	[sflag:s10] =	ssyncadd.s32 $0xFFFFFFE0  }
0x15: {  	v3 =	vld [tilespmem:$0x0];
	_ =	sdelay $0x4  }
0x16: {  	v4 =	vshll.u32 v3, $0x3  }
0x17: {  	v3 =	vand.u32 $0x7, v3;
	v4 =	vand.u32 $0xFFFFFFC0, v4  }
0x18: {  	v3 =	vor.u32 v3, v4  }
0x19: {  	v4 =	vperm.xlane v3, v0;
	_ =	sdelay $0x1  }
0x1a: {  	v4 =	vadd.s32 v1, v4;
	_ =	sdelay $0x4  }
0x1b: {  	[tilespmem:s11], [sflag:$0x1] =	stream.indirect_vreg.gather [hbm4b:s3+s2], $0x80, v4, vm0, $0xb8;
	[tilespmem:$0x8080] =	vst v63  }
0x1c: {  	v3 =	vperm.xlane v3, v2  }
0x1d: {  	[tilespmem:s12], [sflag:$0x1] =	stream.indirect_vreg.gather [hbm4b:s5+s2], $0x80, v4, vm0, $0xb8;
	[tilespmem:$0x8080] =	vst v63  }
0x1e: {  	v3 =	vadd.s32 v1, v3  }
0x1f: {  	[tilespmem:s13], [sflag:$0x1] =	stream.indirect_vreg.gather [hbm4b:s6+s2], $0x80, v4, vm0, $0xb8;
	[tilespmem:$0x8080] =	vst v63  }
0x20: {  	_ = 	snop  }
0x21: {  	[tilespmem:s14], [sflag:$0x1] =	stream.indirect_vreg.gather [hbm4b:s7+s2], $0x80, v4, vm0, $0xb8;
	[tilespmem:$0x8080] =	vst v63  }
0x22: {  	_ = 	snop  }
0x23: {  	[tilespmem:s15], [sflag:$0x1] =	stream.indirect_vreg.gather [hbm4b:s3+s2], $0x80, v3, vm0, $0xb8;
	[tilespmem:$0x8080] =	vst v63  }
0x24: {  	_ = 	snop  }
0x25: {  	[tilespmem:s16], [sflag:$0x1] =	stream.indirect_vreg.gather [hbm4b:s5+s2], $0x80, v3, vm0, $0xb8;
	[tilespmem:$0x8080] =	vst v63  }
0x26: {  	_ = 	snop  }
0x27: {  	[tilespmem:s17], [sflag:$0x1] =	stream.indirect_vreg.gather [hbm4b:s6+s2], $0x80, v3, vm0, $0xb8;
	[tilespmem:$0x8080] =	vst v63  }
0x28: {  	_ = 	snop  }
0x29: {  	[tilespmem:s18], [sflag:$0x1] =	stream.indirect_vreg.gather [hbm4b:s7+s2], $0x80, v3, vm0, $0xb8;
	[tilespmem:$0x8080] =	vst v63  }
0x2a: {  	v3 =	vld [tilespmem:$0x10];
	_ =	sdelay $0x4  }
0x2b: {  	v63 =	vshll.u32 v3, $0x3  }
0x2c: {  	v3 =	vand.u32 $0x7, v3;
	v4 =	vand.u32 $0xFFFFFFC0, v63  }
0x2d: {  	v3 =	vor.u32 v3, v4  }
0x2e: {  	v4 =	vperm.xlane v3, v0;
	_ =	sdelay $0x1  }
0x2f: {  	v4 =	vadd.s32 v1, v4;
	_ =	sdelay $0x4  }
0x30: {  	[tilespmem:s19], [sflag:$0x1] =	stream.indirect_vreg.gather [hbm4b:s3+s2], $0x80, v4, vm0, $0xb8;
	[tilespmem:$0x8080] =	vst v63  }
0x31: {  	v3 =	vperm.xlane v3, v2  }
0x32: {  	[tilespmem:s20], [sflag:$0x1] =	stream.indirect_vreg.gather [hbm4b:s5+s2], $0x80, v4, vm0, $0xb8;
	[tilespmem:$0x8080] =	vst v63  }
0x33: {  	v3 =	vadd.s32 v1, v3  }
0x34: {  	[tilespmem:s21], [sflag:$0x1] =	stream.indirect_vreg.gather [hbm4b:s6+s2], $0x80, v4, vm0, $0xb8;
	[tilespmem:$0x8080] =	vst v63  }
0x35: {  	_ = 	snop  }
0x36: {  	[tilespmem:s22], [sflag:$0x1] =	stream.indirect_vreg.gather [hbm4b:s7+s2], $0x80, v4, vm0, $0xb8;
	[tilespmem:$0x8080] =	vst v63  }
0x37: {  	_ = 	snop  }
0x38: {  	[tilespmem:s23], [sflag:$0x1] =	stream.indirect_vreg.gather [hbm4b:s3+s2], $0x80, v3, vm0, $0xb8;
	[tilespmem:$0x8080] =	vst v63  }
0x39: {  	_ = 	snop  }
0x3a: {  	[tilespmem:s24], [sflag:$0x1] =	stream.indirect_vreg.gather [hbm4b:s5+s2], $0x80, v3, vm0, $0xb8;
	[tilespmem:$0x8080] =	vst v63  }
0x3b: {  	_ = 	snop  }
0x3c: {  	[tilespmem:s25], [sflag:$0x1] =	stream.indirect_vreg.gather [hbm4b:s6+s2], $0x80, v3, vm0, $0xb8;
	[tilespmem:$0x8080] =	vst v63  }
0x3d: {  	_ = 	snop  }
0x3e: {  	[tilespmem:s26], [sflag:$0x1] =	stream.indirect_vreg.gather [hbm4b:s7+s2], $0x80, v3, vm0, $0xb8;
	[tilespmem:$0x8080] =	vst v63  }
0x3f: {  	_ =	swait.ge [sflag:s28], $0x8000  }
0x40: {  	p0 =	sne.s32 s9, $0x1;
	[sflag:s28] =	ssyncset.done $0x0  }
.Ltmp0:
0x41: {  	[sflag:s28] =	ssyncadd.s32 $0xFFFF8000;
	(pc) =	sbr.rel @p0 .LBB2_1-.Ltmp0, $4  }
0x42: {  	[hbm4b:s8+s2] =	stream.linear.scatter [tilespmem:s11], [sflag:$0x2], $0x8000, $0x38;
	[tilespmem:$0x8080] =	vst v63  }
0x43: {  	_ =	swait.ge [sflag:s10], $0x8000  }
0x44: {  	[sflag:s10] =	ssyncset.done $0x0  }
0x45: {  	s9 =	sadd.s32 $0xFFFFFFFF, s9;
	[sflag:s10] =	ssyncadd.s32 $0xFFFF8000  }
0x46: {  	_ =	sfence.sel $0x180000  }
0x47: {  	[bflag:$0x0] =	sbarrier.arrive $0xFFFF  }
0x48: {  	p0 =	sne.s32 s1, $0x0;
	_ =	strace $0x9000004A  }
0x49: {  	s0 =	sadd.s32 @!p0 $0x100000, s0;
	[bflag:$0x2] =	sbarrier.arrive $0xFFFF  }
0x4a: {  	[sflag:s0] =	ssyncadd.tile.s32 @!p0 $0x1;
	_ =	shalt  }
.Lfunc_end2:
_tile_overlayer_lowered:
.L_overlay_start_2:
0x4b: {  	(tag) =	ssettag $0x2  }
0x4c: {  	s0 =	rddreg [dreg:$0x0];
	s2 =	stileid.u32  }
0x4d: {  	s1 =	rddreg [dreg:$0x1];
	p0 =	sne.s32 s2, $0x0  }
0x4e: {  	s3 =	rddreg [dreg:$0x2];
	[bflag:$0x3] =	sbarrier.arrive $0xFFFF;
	s2 =	simm.s32 @!p0 $0x1C02  }
0x4f: {  	[timem:s3], [sflag:s2] =	dma.local @!p0 [hbm:s0], s1  }
0x50: {  	s0 =	simm.s32 @!p0 $0x2  }
0x51: {  	_ =	swait.ge @!p0 [sflag:s0], s1  }
0x52: {  	s1 =	ssub.s32 @!p0 $0x0, s1;
	[sflag:s0] =	ssyncset.done @!p0 $0x0  }
0x53: {  	[sflag:s0] =	ssyncadd.s32 @!p0 s1  }
0x54: {  	[bflag:$0x3] =	sbarrier.arrive $0xFFFF  }
0x55: {  	_ =	shalt  }

</sc_bundles>
